<compile_context>
chip_gen: v7x
topology: tpu7x:2x2x1
jax: 0.10.2.dev20260603
libtpu: 0.0.44.dev20260713+nightly
codegen_flags: <defaults>
</compile_context>

<pallas_src>
import functools

import jax
import jax.numpy as jnp
from jax import lax
from jax.experimental import pallas as pl
from jax.experimental.pallas import tpu as pltpu
from jax.experimental.pallas import tpu_sc as plsc

N_NODES = 10000
N_EDGES = 320000
CH = 128
EA = 16

NC = 2
NS = 16
L = 16
NW = NC * NS
EPAD = 327680
PAIR = EPAD // NS
EPW0 = 16128
EPW1 = PAIR - EPW0
NPAD = 10240
ZSTEPS = NPAD // L
IDB = 14

_HI = lax.Precision.HIGHEST


def _prep_body(x_ref, gW_ref, gb_ref, fW_ref, fb_ref, cW_ref, cb_ref,
               node_ref, c_ref, W3_ref, s_ref):
    i = pl.program_id(0)

    @pl.when(i == 0)
    def _():
        cW = cW_ref[...]
        fW = fW_ref[...]
        u = lax.dot_general(fW[0:CH], cW, (((1,), (0,)), ((), ())), precision=_HI)
        v = lax.dot_general(fW[CH:2 * CH], cW, (((1,), (0,)), ((), ())), precision=_HI)
        gW = gW_ref[...]
        a = lax.dot_general(gW[0:CH], v, (((1,), (0,)), ((), ())), precision=_HI)
        b = lax.dot_general(gW[CH:2 * CH], v, (((1,), (0,)), ((), ())), precision=_HI)
        c = lax.dot_general(gW[2 * CH:2 * CH + EA], v, (((1,), (0,)), ((), ())), precision=_HI)
        s_ref[0] = jnp.sum(fb_ref[...] * cW[:, 0]) + jnp.sum(cb_ref[...])
        s_ref[1] = jnp.sum(gb_ref[...] * v[:, 0])
        W3_ref[...] = jnp.concatenate(
            [u, a, b, jnp.zeros((CH, 5), jnp.float32)], axis=1)
        c_ref[...] = c

    node = lax.dot_general(W3_ref[...], x_ref[...], (((0,), (1,)), ((), ())),
                           precision=_HI)
    row = lax.broadcasted_iota(jnp.int32, node.shape, 0)
    node_ref[...] = (node + jnp.where(row == 0, s_ref[0], 0.0)
                     + jnp.where(row == 1, s_ref[1], 0.0))


def _edge_body(X_ref, ei_ref, c_ref, r_ref, sd_ref):
    i = pl.program_id(0)
    eb = r_ref.shape[1]
    e_idx = i * eb + lax.broadcasted_iota(jnp.int32, (1, eb), 1)
    valid = e_idx < N_EDGES
    acc = jnp.sum(X_ref[...] * c_ref[...], axis=0, keepdims=True)
    r_ref[...] = jnp.where(valid, acc, 0.0)
    sd_ref[...] = jnp.where(valid,
                            lax.shift_left(ei_ref[1:2, :], IDB) | ei_ref[0:1, :],
                            N_NODES << IDB)


def _combine_body(node_ref, T_ref, cnt_ref, out_ref):
    T = jnp.sum(T_ref[:, 0:N_NODES], axis=0, keepdims=True)
    cnt = jnp.sum(cnt_ref[:, 0:N_NODES], axis=0, keepdims=True)
    xu = node_ref[0:1, :]
    xa = node_ref[1:2, :]
    out_ref[...] = xu + jnp.where(cnt > 0.0, xa + T / jnp.maximum(cnt, 1.0), 0.0)


@functools.cache
def _sc_segsum_kernel():
    return pl.kernel(
        _sc_segsum_body,
        out_type=[jax.ShapeDtypeStruct((NW, NPAD), jnp.float32),
                  jax.ShapeDtypeStruct((NW, NPAD), jnp.float32)],
        mesh=plsc.VectorSubcoreMesh(core_axis_name="c", subcore_axis_name="s",
                                    num_cores=NC, num_subcores=NS),
        compiler_params=pltpu.CompilerParams(needs_layout_passes=False),
        scratch_types=[pltpu.VMEM((EPW0,), jnp.int32),
                       pltpu.VMEM((EPW0,), jnp.float32),
                       pltpu.VMEM((N_NODES,), jnp.float32),
                       pltpu.VMEM((NPAD,), jnp.float32),
                       pltpu.VMEM((NPAD,), jnp.float32),
                       pltpu.SemaphoreType.DMA,
                       pltpu.SemaphoreType.DMA,
                       pltpu.SemaphoreType.DMA],
    )


_UNROLL = 4


def _sc_segsum_body(sd_hbm, r_hbm, p_hbm, T_hbm, cnt_hbm,
                    sd_v, r_v, p_v, T_v, cnt_v, sem0, sem1, sem2):
    c = lax.axis_index("c")
    s = lax.axis_index("s")
    wid = s * NC + c

    def run(nedges, base):
        cp0 = pltpu.async_copy(sd_hbm.at[0, pl.ds(base, nedges)],
                               sd_v.at[pl.ds(0, nedges)], sem0)
        cp1 = pltpu.async_copy(r_hbm.at[0, pl.ds(base, nedges)],
                               r_v.at[pl.ds(0, nedges)], sem1)
        cp2 = pltpu.async_copy(p_hbm, p_v, sem2)

        def zero_body(i, carry):
            off = i * (L * _UNROLL)
            z = jnp.zeros((L,), jnp.float32)
            for u in range(_UNROLL):
                T_v[pl.ds(off + u * L, L)] = z
                cnt_v[pl.ds(off + u * L, L)] = z
            return carry

        lax.fori_loop(0, ZSTEPS // _UNROLL, zero_body, 0)
        cp0.wait()
        cp1.wait()
        cp2.wait()

        mask = jnp.full((L,), (1 << IDB) - 1, jnp.int32)
        ones = jnp.full((L,), 1.0, jnp.float32)

        @plsc.parallel_loop(0, nedges // L, 1, unroll=_UNROLL)
        def body(i):
            off = i * L
            sd = sd_v[pl.ds(off, L)]
            rv = r_v[pl.ds(off, L)]
            sidx = sd & mask
            d = lax.shift_right_logical(sd, IDB)
            pv = plsc.load_gather(p_v, [sidx])
            plsc.addupdate_scatter(T_v, [d], pv + rv)
            plsc.addupdate_scatter(cnt_v, [d], ones)

    @pl.when(c == 0)
    def _():
        run(EPW0, pl.multiple_of(s * PAIR, 128))

    @pl.when(c == 1)
    def _():
        run(EPW1, pl.multiple_of(s * PAIR + EPW0, 128))

    pltpu.sync_copy(T_v, T_hbm.at[wid])
    pltpu.sync_copy(cnt_v, cnt_hbm.at[wid])


def _segment_parts(sd, r, p):
    return _sc_segsum_kernel()(sd, r, p)


def kernel(x_a, edge_index_a2a, edge_attr_a2a, g_W, g_b, f_W, f_b, cls_W, cls_b):
    XB = 1280
    node_out, c_vec = pl.pallas_call(
        _prep_body,
        grid=(8,),
        in_specs=[pl.BlockSpec((XB, CH), lambda i: (i, 0)),
                  pl.BlockSpec((2 * CH + EA, CH), lambda i: (0, 0)),
                  pl.BlockSpec((CH,), lambda i: (0,)),
                  pl.BlockSpec((2 * CH, CH), lambda i: (0, 0)),
                  pl.BlockSpec((CH,), lambda i: (0,)),
                  pl.BlockSpec((CH, 1), lambda i: (0, 0)),
                  pl.BlockSpec((1,), lambda i: (0,))],
        out_specs=[pl.BlockSpec((8, XB), lambda i: (0, i)),
                   pl.BlockSpec((EA, 1), lambda i: (0, 0))],
        out_shape=[jax.ShapeDtypeStruct((8, N_NODES), jnp.float32),
                   jax.ShapeDtypeStruct((EA, 1), jnp.float32)],
        scratch_shapes=[pltpu.VMEM((CH, 8), jnp.float32),
                        pltpu.SMEM((2,), jnp.float32)],
    )(x_a, g_W, g_b, f_W, f_b, cls_W, cls_b)

    eaT = edge_attr_a2a.T
    EB = EPAD // 10
    r2, sd2 = pl.pallas_call(
        _edge_body,
        grid=(10,),
        in_specs=[pl.BlockSpec((EA, EB), lambda i: (0, i)),
                  pl.BlockSpec((2, EB), lambda i: (0, i)),
                  pl.BlockSpec((EA, 1), lambda i: (0, 0))],
        out_specs=[pl.BlockSpec((1, EB), lambda i: (0, i)),
                   pl.BlockSpec((1, EB), lambda i: (0, i))],
        out_shape=[jax.ShapeDtypeStruct((1, EPAD), jnp.float32),
                   jax.ShapeDtypeStruct((1, EPAD), jnp.int32)],
    )(eaT, edge_index_a2a, c_vec)
    p = node_out[2]

    T_parts, cnt_parts = _segment_parts(sd2, r2, p)

    out_row = pl.pallas_call(
        _combine_body,
        out_shape=jax.ShapeDtypeStruct((1, N_NODES), jnp.float32),
    )(node_out, T_parts, cnt_parts)
    return out_row.reshape(N_NODES, 1)

# --- scband reference (transcript-rebuilt; emitter-appended) ---
"""Pipeline reference for scband-cuts-selector-44470091383035 (READ-ONLY COPY).

The authoritative reference and input builder live on the scoring server;
editing this copy changes nothing except your own understanding.
"""

import jax, jax.numpy as jnp
import numpy as np

N_NODES = 10000
N_EDGES = 320000
CHANNELS = 128
EDGE_ATTR_DIM = 16

def setup_inputs(seed: int = 0) -> dict:
    key = jax.random.key(seed)
    ks = jax.random.split(key, 10)
    x_a = jax.random.normal(ks[0], (N_NODES, CHANNELS), dtype=jnp.float32)
    edge_index_a2a = jax.random.randint(ks[1], (2, N_EDGES), 0, N_NODES, dtype=jnp.int64 if jax.config.jax_enable_x64 else jnp.int32).astype(jnp.int32)
    edge_attr_a2a = jax.random.normal(ks[2], (N_EDGES, EDGE_ATTR_DIM), dtype=jnp.float32)
    # CutConv params: g: Lin(2*C + E_dim, C), f: Lin(2*C, C)
    gin = 2 * CHANNELS + EDGE_ATTR_DIM
    g_W = jax.random.uniform(ks[3], (gin, CHANNELS), minval=-1.0, maxval=1.0, dtype=jnp.float32) / jnp.sqrt(gin)
    g_b = jax.random.uniform(ks[4], (CHANNELS,), minval=-1.0, maxval=1.0, dtype=jnp.float32) / jnp.sqrt(gin)
    fin = 2 * CHANNELS
    f_W = jax.random.uniform(ks[5], (fin, CHANNELS), minval=-1.0, maxval=1.0, dtype=jnp.float32) / jnp.sqrt(fin)
    f_b = jax.random.uniform(ks[6], (CHANNELS,), minval=-1.0, maxval=1.0, dtype=jnp.float32) / jnp.sqrt(fin)
    # classifier: Lin(C, 1)
    cls_W = jax.random.uniform(ks[7], (CHANNELS, 1), minval=-1.0, maxval=1.0, dtype=jnp.float32) / jnp.sqrt(CHANNELS)
    cls_b = jax.random.uniform(ks[8], (1,), minval=-1.0, maxval=1.0, dtype=jnp.float32) / jnp.sqrt(CHANNELS)
    return {"x_a": x_a, "edge_index_a2a": edge_index_a2a, "edge_attr_a2a": edge_attr_a2a,
            "g_W": g_W, "g_b": g_b, "f_W": f_W, "f_b": f_b, "cls_W": cls_W, "cls_b": cls_b}

def reference(x_a, edge_index_a2a, edge_attr_a2a, g_W, g_b, f_W, f_b, cls_W, cls_b):
    # CutConv with aggr='mean', flow source_to_target:
    # x_j = x[src] = x[edge_index[0]], x_i = x[dst] = x[edge_index[1]]
    src = edge_index_a2a[0]
    dst = edge_index_a2a[1]
    x_i = jnp.take(x_a, dst, axis=0)
    x_j = jnp.take(x_a, src, axis=0)
    z_ij = jnp.concatenate([x_i, x_j, edge_attr_a2a], axis=-1)
    msg = z_ij @ g_W + g_b
    # mean aggregation at destination nodes
    summed = jax.ops.segment_sum(msg, dst, num_segments=N_NODES)
    counts = jax.ops.segment_sum(jnp.ones((msg.shape[0],), dtype=msg.dtype), dst, num_segments=N_NODES)
    aggr = summed / jnp.maximum(counts, 1.0)[:, None]
    # update: f([x, aggr_out])
    h = jnp.concatenate([x_a, aggr], axis=-1)
    x_out = h @ f_W + f_b
    # classifier
    logits = x_out @ cls_W + cls_b
    return logits

if __name__ == "__main__":
    import jax
    _d = setup_inputs()
    print(jax.jit(kernel)(*tuple(_d.values())))

</pallas_src>

<mosaic_0001>
#map = affine_map<(d0, d1) -> (0, 0)>
#map1 = affine_map<(d0, d1) -> (0)>
module attributes {stable_mosaic.version = 14 : i64} {
  func.func @_sc_segsum_body(%arg0: i32, %arg1: i32, %arg2: memref<1x327680xi32, #tpu.memory_space<hbm>>, %arg3: memref<1x327680xf32, #tpu.memory_space<hbm>>, %arg4: memref<10000xf32, #tpu.memory_space<hbm>>, %arg5: memref<32x10240xf32, #tpu.memory_space<hbm>>, %arg6: memref<32x10240xf32, #tpu.memory_space<hbm>>, %arg7: memref<16128xi32, #tpu.memory_space<vmem>>, %arg8: memref<16128xf32, #tpu.memory_space<vmem>>, %arg9: memref<10000xf32, #tpu.memory_space<vmem>>, %arg10: memref<10240xf32, #tpu.memory_space<vmem>>, %arg11: memref<10240xf32, #tpu.memory_space<vmem>>, %arg12: memref<!tpu.dma_semaphore, #tpu.memory_space<semaphore_mem>>, %arg13: memref<!tpu.dma_semaphore, #tpu.memory_space<semaphore_mem>>, %arg14: memref<!tpu.dma_semaphore, #tpu.memory_space<semaphore_mem>>) attributes {dimension_semantics = [#tpu.dimension_semantics<core_parallel>, #tpu.dimension_semantics<subcore_parallel>], iteration_bounds = array<i64: 2, 16>, scalar_prefetch = 0 : i64, scratch_operands = 8 : i64, tpu.core_type = #tpu.core_type<sc_vector_subcore>, window_params = [{transform_indices = #map}, {transform_indices = #map}, {transform_indices = #map1}, {transform_indices = #map}, {transform_indices = #map}]} {
    %mul3A = arith.constant 2 : i32
    %mul3A_0 = arith.muli %arg1, %mul3A : i32
    %add3A = arith.addi %mul3A_0, %arg0 : i32
    %eq3A = arith.constant 0 : i32
    %eq3A_1 = arith.cmpi eq, %arg0, %eq3A : i32
    %convert_element_type3A = arith.extui %eq3A_1 : i1 to i32
    %cond3A = arith.constant 0 : i32
    %cond3A_2 = arith.cmpi ne, %convert_element_type3A, %cond3A : i32
    scf.if %cond3A_2 {
      %mul3A_8 = arith.constant 20480 : i32
      %mul3A_9 = arith.muli %arg1, %mul3A_8 : i32
      %multiple_of3A = tpu.assume_multiple %mul3A_9, 128 : i32
      %dma_start3A = arith.constant 0 : i32
      %dma_start3A_10 = arith.constant 0 : i32
      %dma_start3A_11 = tpu.memref_slice %arg7[%dma_start3A_10] : memref<16128xi32, #tpu.memory_space<vmem>> -> memref<16128xi32, #tpu.memory_space<vmem>>
      %dma_start3A_12 = tpu.memref_slice %arg2[%dma_start3A, %multiple_of3A] : memref<1x327680xi32, #tpu.memory_space<hbm>> -> memref<1x16128xi32, #tpu.memory_space<hbm>>
      %dma_start3A_13 = tpu.memref_squeeze %dma_start3A_12 : memref<1x16128xi32, #tpu.memory_space<hbm>> -> memref<16128xi32, #tpu.memory_space<hbm>>
      %dma_start3A_14 = arith.constant 0 : i32
      %dma_start3A_15 = tpu.memref_slice %arg7[%dma_start3A_14] : memref<16128xi32, #tpu.memory_space<vmem>> -> memref<16128xi32, #tpu.memory_space<vmem>>
      %dma_start3A_16 = tpu.memref_slice %arg2[%dma_start3A, %multiple_of3A] : memref<1x327680xi32, #tpu.memory_space<hbm>> -> memref<1x16128xi32, #tpu.memory_space<hbm>>
      %dma_start3A_17 = tpu.memref_squeeze %dma_start3A_16 : memref<1x16128xi32, #tpu.memory_space<hbm>> -> memref<16128xi32, #tpu.memory_space<hbm>>
      tpu.enqueue_dma source(%dma_start3A_17 : memref<16128xi32, #tpu.memory_space<hbm>>) target(%dma_start3A_15 : memref<16128xi32, #tpu.memory_space<vmem>>) target_semaphore(%arg12 : memref<!tpu.dma_semaphore, #tpu.memory_space<semaphore_mem>>)
      %dma_start3A_18 = arith.constant 0 : i32
      %dma_start3A_19 = arith.constant 0 : i32
      %dma_start3A_20 = tpu.memref_slice %arg8[%dma_start3A_19] : memref<16128xf32, #tpu.memory_space<vmem>> -> memref<16128xf32, #tpu.memory_space<vmem>>
      %dma_start3A_21 = tpu.memref_slice %arg3[%dma_start3A_18, %multiple_of3A] : memref<1x327680xf32, #tpu.memory_space<hbm>> -> memref<1x16128xf32, #tpu.memory_space<hbm>>
      %dma_start3A_22 = tpu.memref_squeeze %dma_start3A_21 : memref<1x16128xf32, #tpu.memory_space<hbm>> -> memref<16128xf32, #tpu.memory_space<hbm>>
      %dma_start3A_23 = arith.constant 0 : i32
      %dma_start3A_24 = tpu.memref_slice %arg8[%dma_start3A_23] : memref<16128xf32, #tpu.memory_space<vmem>> -> memref<16128xf32, #tpu.memory_space<vmem>>
      %dma_start3A_25 = tpu.memref_slice %arg3[%dma_start3A_18, %multiple_of3A] : memref<1x327680xf32, #tpu.memory_space<hbm>> -> memref<1x16128xf32, #tpu.memory_space<hbm>>
      %dma_start3A_26 = tpu.memref_squeeze %dma_start3A_25 : memref<1x16128xf32, #tpu.memory_space<hbm>> -> memref<16128xf32, #tpu.memory_space<hbm>>
      tpu.enqueue_dma source(%dma_start3A_26 : memref<16128xf32, #tpu.memory_space<hbm>>) target(%dma_start3A_24 : memref<16128xf32, #tpu.memory_space<vmem>>) target_semaphore(%arg13 : memref<!tpu.dma_semaphore, #tpu.memory_space<semaphore_mem>>)
      tpu.enqueue_dma source(%arg4 : memref<10000xf32, #tpu.memory_space<hbm>>) target(%arg9 : memref<10000xf32, #tpu.memory_space<vmem>>) target_semaphore(%arg14 : memref<!tpu.dma_semaphore, #tpu.memory_space<semaphore_mem>>)
      %scan3A = arith.constant 0 : i32
      %scan3A_27 = arith.constant 0 : i32
      %scan3A_28 = arith.constant 160 : i32
      %scan3A_29 = arith.addi %scan3A_27, %scan3A_28 : i32
      %scan3A_30 = arith.constant 1 : i32
      scf.for %scan3A_54 = %scan3A_27 to %scan3A_29 step %scan3A_30  : i32 {
        %mul3A_55 = arith.constant 64 : i32
        %mul3A_56 = arith.muli %scan3A_54, %mul3A_55 : i32
        %broadcast_in_dim3A_57 = arith.constant 0.000000e+00 : f32
        %broadcast_in_dim3A_58 = vector.broadcast %broadcast_in_dim3A_57 : f32 to vector<16xf32>
        %add3A_59 = arith.constant 0 : i32
        %add3A_60 = arith.addi %mul3A_56, %add3A_59 : i32
        %swap3A = arith.index_cast %add3A_60 : i32 to index
        %swap3A_61 = tpu.vector_load %arg10[%swap3A] {strides = array<i32>} : memref<10240xf32, #tpu.memory_space<vmem>>, vector<16xf32>,
        tpu.vector_store %arg10[%swap3A], %broadcast_in_dim3A_58 {strides = array<i32>} : memref<10240xf32, #tpu.memory_space<vmem>>, vector<16xf32>,
        %add3A_62 = arith.constant 0 : i32
        %add3A_63 = arith.addi %mul3A_56, %add3A_62 : i32
        %swap3A_64 = arith.index_cast %add3A_63 : i32 to index
        %swap3A_65 = tpu.vector_load %arg11[%swap3A_64] {strides = array<i32>} : memref<10240xf32, #tpu.memory_space<vmem>>, vector<16xf32>,
        tpu.vector_store %arg11[%swap3A_64], %broadcast_in_dim3A_58 {strides = array<i32>} : memref<10240xf32, #tpu.memory_space<vmem>>, vector<16xf32>,
        %add3A_66 = arith.constant 16 : i32
        %add3A_67 = arith.addi %mul3A_56, %add3A_66 : i32
        %swap3A_68 = arith.index_cast %add3A_67 : i32 to index
        %swap3A_69 = tpu.vector_load %arg10[%swap3A_68] {strides = array<i32>} : memref<10240xf32, #tpu.memory_space<vmem>>, vector<16xf32>,
        tpu.vector_store %arg10[%swap3A_68], %broadcast_in_dim3A_58 {strides = array<i32>} : memref<10240xf32, #tpu.memory_space<vmem>>, vector<16xf32>,
        %add3A_70 = arith.constant 16 : i32
        %add3A_71 = arith.addi %mul3A_56, %add3A_70 : i32
        %swap3A_72 = arith.index_cast %add3A_71 : i32 to index
        %swap3A_73 = tpu.vector_load %arg11[%swap3A_72] {strides = array<i32>} : memref<10240xf32, #tpu.memory_space<vmem>>, vector<16xf32>,
        tpu.vector_store %arg11[%swap3A_72], %broadcast_in_dim3A_58 {strides = array<i32>} : memref<10240xf32, #tpu.memory_space<vmem>>, vector<16xf32>,
        %add3A_74 = arith.constant 32 : i32
        %add3A_75 = arith.addi %mul3A_56, %add3A_74 : i32
        %swap3A_76 = arith.index_cast %add3A_75 : i32 to index
        %swap3A_77 = tpu.vector_load %arg10[%swap3A_76] {strides = array<i32>} : memref<10240xf32, #tpu.memory_space<vmem>>, vector<16xf32>,
        tpu.vector_store %arg10[%swap3A_76], %broadcast_in_dim3A_58 {strides = array<i32>} : memref<10240xf32, #tpu.memory_space<vmem>>, vector<16xf32>,
        %add3A_78 = arith.constant 32 : i32
        %add3A_79 = arith.addi %mul3A_56, %add3A_78 : i32
        %swap3A_80 = arith.index_cast %add3A_79 : i32 to index
        %swap3A_81 = tpu.vector_load %arg11[%swap3A_80] {strides = array<i32>} : memref<10240xf32, #tpu.memory_space<vmem>>, vector<16xf32>,
        tpu.vector_store %arg11[%swap3A_80], %broadcast_in_dim3A_58 {strides = array<i32>} : memref<10240xf32, #tpu.memory_space<vmem>>, vector<16xf32>,
        %add3A_82 = arith.constant 48 : i32
        %add3A_83 = arith.addi %mul3A_56, %add3A_82 : i32
        %swap3A_84 = arith.index_cast %add3A_83 : i32 to index
        %swap3A_85 = tpu.vector_load %arg10[%swap3A_84] {strides = array<i32>} : memref<10240xf32, #tpu.memory_space<vmem>>, vector<16xf32>,
        tpu.vector_store %arg10[%swap3A_84], %broadcast_in_dim3A_58 {strides = array<i32>} : memref<10240xf32, #tpu.memory_space<vmem>>, vector<16xf32>,
        %add3A_86 = arith.constant 48 : i32
        %add3A_87 = arith.addi %mul3A_56, %add3A_86 : i32
        %swap3A_88 = arith.index_cast %add3A_87 : i32 to index
        %swap3A_89 = tpu.vector_load %arg11[%swap3A_88] {strides = array<i32>} : memref<10240xf32, #tpu.memory_space<vmem>>, vector<16xf32>,
        tpu.vector_store %arg11[%swap3A_88], %broadcast_in_dim3A_58 {strides = array<i32>} : memref<10240xf32, #tpu.memory_space<vmem>>, vector<16xf32>,
      }
      %scan3A_31 = arith.constant 160 : i32
      %dma_wait3A = arith.constant 0 : i32
      %dma_wait3A_32 = arith.constant 0 : i32
      %dma_wait3A_33 = tpu.memref_slice %arg7[%dma_wait3A_32] : memref<16128xi32, #tpu.memory_space<vmem>> -> memref<16128xi32, #tpu.memory_space<vmem>>
      %dma_wait3A_34 = tpu.memref_slice %arg2[%dma_wait3A, %multiple_of3A] : memref<1x327680xi32, #tpu.memory_space<hbm>> -> memref<1x16128xi32, #tpu.memory_space<hbm>>
      %dma_wait3A_35 = tpu.memref_squeeze %dma_wait3A_34 : memref<1x16128xi32, #tpu.memory_space<hbm>> -> memref<16128xi32, #tpu.memory_space<hbm>>
      %dma_wait3A_36 = arith.constant 0 : i32
      %dma_wait3A_37 = tpu.memref_slice %arg7[%dma_wait3A_36] : memref<16128xi32, #tpu.memory_space<vmem>> -> memref<16128xi32, #tpu.memory_space<vmem>>
      %dma_wait3A_38 = tpu.memref_slice %arg2[%dma_wait3A, %multiple_of3A] : memref<1x327680xi32, #tpu.memory_space<hbm>> -> memref<1x16128xi32, #tpu.memory_space<hbm>>
      %dma_wait3A_39 = tpu.memref_squeeze %dma_wait3A_38 : memref<1x16128xi32, #tpu.memory_space<hbm>> -> memref<16128xi32, #tpu.memory_space<hbm>>
      tpu.wait_dma2 semaphore(%arg12 : memref<!tpu.dma_semaphore, #tpu.memory_space<semaphore_mem>>) src(%dma_wait3A_39 : memref<16128xi32, #tpu.memory_space<hbm>>) dst(%dma_wait3A_37 : memref<16128xi32, #tpu.memory_space<vmem>>)
      %dma_wait3A_40 = arith.constant 0 : i32
      %dma_wait3A_41 = arith.constant 0 : i32
      %dma_wait3A_42 = tpu.memref_slice %arg8[%dma_wait3A_41] : memref<16128xf32, #tpu.memory_space<vmem>> -> memref<16128xf32, #tpu.memory_space<vmem>>
      %dma_wait3A_43 = tpu.memref_slice %arg3[%dma_wait3A_40, %multiple_of3A] : memref<1x327680xf32, #tpu.memory_space<hbm>> -> memref<1x16128xf32, #tpu.memory_space<hbm>>
      %dma_wait3A_44 = tpu.memref_squeeze %dma_wait3A_43 : memref<1x16128xf32, #tpu.memory_space<hbm>> -> memref<16128xf32, #tpu.memory_space<hbm>>
      %dma_wait3A_45 = arith.constant 0 : i32
      %dma_wait3A_46 = tpu.memref_slice %arg8[%dma_wait3A_45] : memref<16128xf32, #tpu.memory_space<vmem>> -> memref<16128xf32, #tpu.memory_space<vmem>>
      %dma_wait3A_47 = tpu.memref_slice %arg3[%dma_wait3A_40, %multiple_of3A] : memref<1x327680xf32, #tpu.memory_space<hbm>> -> memref<1x16128xf32, #tpu.memory_space<hbm>>
      %dma_wait3A_48 = tpu.memref_squeeze %dma_wait3A_47 : memref<1x16128xf32, #tpu.memory_space<hbm>> -> memref<16128xf32, #tpu.memory_space<hbm>>
      tpu.wait_dma2 semaphore(%arg13 : memref<!tpu.dma_semaphore, #tpu.memory_space<semaphore_mem>>) src(%dma_wait3A_48 : memref<16128xf32, #tpu.memory_space<hbm>>) dst(%dma_wait3A_46 : memref<16128xf32, #tpu.memory_space<vmem>>)
      tpu.wait_dma2 semaphore(%arg14 : memref<!tpu.dma_semaphore, #tpu.memory_space<semaphore_mem>>) src(%arg4 : memref<10000xf32, #tpu.memory_space<hbm>>) dst(%arg9 : memref<10000xf32, #tpu.memory_space<vmem>>)
      %broadcast_in_dim3A = arith.constant 16383 : i32
      %broadcast_in_dim3A_49 = vector.broadcast %broadcast_in_dim3A : i32 to vector<16xi32>
      %broadcast_in_dim3A_50 = arith.constant 1.000000e+00 : f32
      %broadcast_in_dim3A_51 = vector.broadcast %broadcast_in_dim3A_50 : f32 to vector<16xf32>
      %parallel_loop3A = arith.constant 0 : i32
      %parallel_loop3A_52 = arith.constant 1008 : i32
      %parallel_loop3A_53 = arith.constant 1 : i32
      scf.for %parallel_loop3A_54 = %parallel_loop3A to %parallel_loop3A_52 step %parallel_loop3A_53  : i32 {
        %parallel_loop3A_55 = arith.constant 16 : i32
        %parallel_loop3A_56 = arith.muli %parallel_loop3A_54, %parallel_loop3A_55 : i32
        %parallel_loop3A_57 = arith.index_cast %parallel_loop3A_56 : i32 to index
        %parallel_loop3A_58 = tpu.vector_load %arg7[%parallel_loop3A_57] {strides = array<i32>} : memref<16128xi32, #tpu.memory_space<vmem>>, vector<16xi32>,
        %parallel_loop3A_59 = arith.index_cast %parallel_loop3A_56 : i32 to index
        %parallel_loop3A_60 = tpu.vector_load %arg8[%parallel_loop3A_59] {strides = array<i32>} : memref<16128xf32, #tpu.memory_space<vmem>>, vector<16xf32>,
        %parallel_loop3A_61 = arith.andi %parallel_loop3A_58, %broadcast_in_dim3A_49 : vector<16xi32>
        %parallel_loop3A_62 = arith.constant 14 : i32
        %parallel_loop3A_63 = vector.broadcast %parallel_loop3A_62 : i32 to vector<16xi32>
        %parallel_loop3A_64 = arith.shrui %parallel_loop3A_58, %parallel_loop3A_63 : vector<16xi32>
        %parallel_loop3A_65 = tpu.vector_load_idx %arg9[%parallel_loop3A_61] : memref<10000xf32, #tpu.memory_space<vmem>>[vector<16xi32>], vector<16xf32>,
        %parallel_loop3A_66 = arith.addf %parallel_loop3A_65, %parallel_loop3A_60 : vector<16xf32>
        tpu.vector_store_idx %arg10[%parallel_loop3A_64], %parallel_loop3A_66 {add = true} : memref<10240xf32, #tpu.memory_space<vmem>>[vector<16xi32>], vector<16xf32>,
        tpu.vector_store_idx %arg11[%parallel_loop3A_64], %broadcast_in_dim3A_51 {add = true} : memref<10240xf32, #tpu.memory_space<vmem>>[vector<16xi32>], vector<16xf32>,
      } {sc.loop_unroll_factor = 4 : i64, sc.parallel_access}
    } else {
    }
    %eq3A_3 = arith.constant 1 : i32
    %eq3A_4 = arith.cmpi eq, %arg0, %eq3A_3 : i32
    %convert_element_type3A_5 = arith.extui %eq3A_4 : i1 to i32
    %cond3A_6 = arith.constant 0 : i32
    %cond3A_7 = arith.cmpi ne, %convert_element_type3A_5, %cond3A_6 : i32
    scf.if %cond3A_7 {
      %mul3A_8 = arith.constant 20480 : i32
      %mul3A_9 = arith.muli %arg1, %mul3A_8 : i32
      %add3A_10 = arith.constant 16128 : i32
      %add3A_11 = arith.addi %mul3A_9, %add3A_10 : i32
      %multiple_of3A = tpu.assume_multiple %add3A_11, 128 : i32
      %dma_start3A = arith.constant 0 : i32
      %dma_start3A_12 = arith.constant 0 : i32
      %dma_start3A_13 = tpu.memref_slice %arg7[%dma_start3A_12] : memref<16128xi32, #tpu.memory_space<vmem>> -> memref<4352xi32, #tpu.memory_space<vmem>>
      %dma_start3A_14 = tpu.memref_slice %arg2[%dma_start3A, %multiple_of3A] : memref<1x327680xi32, #tpu.memory_space<hbm>> -> memref<1x4352xi32, #tpu.memory_space<hbm>>
      %dma_start3A_15 = tpu.memref_squeeze %dma_start3A_14 : memref<1x4352xi32, #tpu.memory_space<hbm>> -> memref<4352xi32, #tpu.memory_space<hbm>>
      %dma_start3A_16 = arith.constant 0 : i32
      %dma_start3A_17 = tpu.memref_slice %arg7[%dma_start3A_16] : memref<16128xi32, #tpu.memory_space<vmem>> -> memref<4352xi32, #tpu.memory_space<vmem>>
      %dma_start3A_18 = tpu.memref_slice %arg2[%dma_start3A, %multiple_of3A] : memref<1x327680xi32, #tpu.memory_space<hbm>> -> memref<1x4352xi32, #tpu.memory_space<hbm>>
      %dma_start3A_19 = tpu.memref_squeeze %dma_start3A_18 : memref<1x4352xi32, #tpu.memory_space<hbm>> -> memref<4352xi32, #tpu.memory_space<hbm>>
      tpu.enqueue_dma source(%dma_start3A_19 : memref<4352xi32, #tpu.memory_space<hbm>>) target(%dma_start3A_17 : memref<4352xi32, #tpu.memory_space<vmem>>) target_semaphore(%arg12 : memref<!tpu.dma_semaphore, #tpu.memory_space<semaphore_mem>>)
      %dma_start3A_20 = arith.constant 0 : i32
      %dma_start3A_21 = arith.constant 0 : i32
      %dma_start3A_22 = tpu.memref_slice %arg8[%dma_start3A_21] : memref<16128xf32, #tpu.memory_space<vmem>> -> memref<4352xf32, #tpu.memory_space<vmem>>
      %dma_start3A_23 = tpu.memref_slice %arg3[%dma_start3A_20, %multiple_of3A] : memref<1x327680xf32, #tpu.memory_space<hbm>> -> memref<1x4352xf32, #tpu.memory_space<hbm>>
      %dma_start3A_24 = tpu.memref_squeeze %dma_start3A_23 : memref<1x4352xf32, #tpu.memory_space<hbm>> -> memref<4352xf32, #tpu.memory_space<hbm>>
      %dma_start3A_25 = arith.constant 0 : i32
      %dma_start3A_26 = tpu.memref_slice %arg8[%dma_start3A_25] : memref<16128xf32, #tpu.memory_space<vmem>> -> memref<4352xf32, #tpu.memory_space<vmem>>
      %dma_start3A_27 = tpu.memref_slice %arg3[%dma_start3A_20, %multiple_of3A] : memref<1x327680xf32, #tpu.memory_space<hbm>> -> memref<1x4352xf32, #tpu.memory_space<hbm>>
      %dma_start3A_28 = tpu.memref_squeeze %dma_start3A_27 : memref<1x4352xf32, #tpu.memory_space<hbm>> -> memref<4352xf32, #tpu.memory_space<hbm>>
      tpu.enqueue_dma source(%dma_start3A_28 : memref<4352xf32, #tpu.memory_space<hbm>>) target(%dma_start3A_26 : memref<4352xf32, #tpu.memory_space<vmem>>) target_semaphore(%arg13 : memref<!tpu.dma_semaphore, #tpu.memory_space<semaphore_mem>>)
      tpu.enqueue_dma source(%arg4 : memref<10000xf32, #tpu.memory_space<hbm>>) target(%arg9 : memref<10000xf32, #tpu.memory_space<vmem>>) target_semaphore(%arg14 : memref<!tpu.dma_semaphore, #tpu.memory_space<semaphore_mem>>)
      %scan3A = arith.constant 0 : i32
      %scan3A_29 = arith.constant 0 : i32
      %scan3A_30 = arith.constant 160 : i32
      %scan3A_31 = arith.addi %scan3A_29, %scan3A_30 : i32
      %scan3A_32 = arith.constant 1 : i32
      scf.for %scan3A_56 = %scan3A_29 to %scan3A_31 step %scan3A_32  : i32 {
        %mul3A_57 = arith.constant 64 : i32
        %mul3A_58 = arith.muli %scan3A_56, %mul3A_57 : i32
        %broadcast_in_dim3A_59 = arith.constant 0.000000e+00 : f32
        %broadcast_in_dim3A_60 = vector.broadcast %broadcast_in_dim3A_59 : f32 to vector<16xf32>
        %add3A_61 = arith.constant 0 : i32
        %add3A_62 = arith.addi %mul3A_58, %add3A_61 : i32
        %swap3A = arith.index_cast %add3A_62 : i32 to index
        %swap3A_63 = tpu.vector_load %arg10[%swap3A] {strides = array<i32>} : memref<10240xf32, #tpu.memory_space<vmem>>, vector<16xf32>,
        tpu.vector_store %arg10[%swap3A], %broadcast_in_dim3A_60 {strides = array<i32>} : memref<10240xf32, #tpu.memory_space<vmem>>, vector<16xf32>,
        %add3A_64 = arith.constant 0 : i32
        %add3A_65 = arith.addi %mul3A_58, %add3A_64 : i32
        %swap3A_66 = arith.index_cast %add3A_65 : i32 to index
        %swap3A_67 = tpu.vector_load %arg11[%swap3A_66] {strides = array<i32>} : memref<10240xf32, #tpu.memory_space<vmem>>, vector<16xf32>,
        tpu.vector_store %arg11[%swap3A_66], %broadcast_in_dim3A_60 {strides = array<i32>} : memref<10240xf32, #tpu.memory_space<vmem>>, vector<16xf32>,
        %add3A_68 = arith.constant 16 : i32
        %add3A_69 = arith.addi %mul3A_58, %add3A_68 : i32
        %swap3A_70 = arith.index_cast %add3A_69 : i32 to index
        %swap3A_71 = tpu.vector_load %arg10[%swap3A_70] {strides = array<i32>} : memref<10240xf32, #tpu.memory_space<vmem>>, vector<16xf32>,
        tpu.vector_store %arg10[%swap3A_70], %broadcast_in_dim3A_60 {strides = array<i32>} : memref<10240xf32, #tpu.memory_space<vmem>>, vector<16xf32>,
        %add3A_72 = arith.constant 16 : i32
        %add3A_73 = arith.addi %mul3A_58, %add3A_72 : i32
        %swap3A_74 = arith.index_cast %add3A_73 : i32 to index
        %swap3A_75 = tpu.vector_load %arg11[%swap3A_74] {strides = array<i32>} : memref<10240xf32, #tpu.memory_space<vmem>>, vector<16xf32>,
        tpu.vector_store %arg11[%swap3A_74], %broadcast_in_dim3A_60 {strides = array<i32>} : memref<10240xf32, #tpu.memory_space<vmem>>, vector<16xf32>,
        %add3A_76 = arith.constant 32 : i32
        %add3A_77 = arith.addi %mul3A_58, %add3A_76 : i32
        %swap3A_78 = arith.index_cast %add3A_77 : i32 to index
        %swap3A_79 = tpu.vector_load %arg10[%swap3A_78] {strides = array<i32>} : memref<10240xf32, #tpu.memory_space<vmem>>, vector<16xf32>,
        tpu.vector_store %arg10[%swap3A_78], %broadcast_in_dim3A_60 {strides = array<i32>} : memref<10240xf32, #tpu.memory_space<vmem>>, vector<16xf32>,
        %add3A_80 = arith.constant 32 : i32
        %add3A_81 = arith.addi %mul3A_58, %add3A_80 : i32
        %swap3A_82 = arith.index_cast %add3A_81 : i32 to index
        %swap3A_83 = tpu.vector_load %arg11[%swap3A_82] {strides = array<i32>} : memref<10240xf32, #tpu.memory_space<vmem>>, vector<16xf32>,
        tpu.vector_store %arg11[%swap3A_82], %broadcast_in_dim3A_60 {strides = array<i32>} : memref<10240xf32, #tpu.memory_space<vmem>>, vector<16xf32>,
        %add3A_84 = arith.constant 48 : i32
        %add3A_85 = arith.addi %mul3A_58, %add3A_84 : i32
        %swap3A_86 = arith.index_cast %add3A_85 : i32 to index
        %swap3A_87 = tpu.vector_load %arg10[%swap3A_86] {strides = array<i32>} : memref<10240xf32, #tpu.memory_space<vmem>>, vector<16xf32>,
        tpu.vector_store %arg10[%swap3A_86], %broadcast_in_dim3A_60 {strides = array<i32>} : memref<10240xf32, #tpu.memory_space<vmem>>, vector<16xf32>,
        %add3A_88 = arith.constant 48 : i32
        %add3A_89 = arith.addi %mul3A_58, %add3A_88 : i32
        %swap3A_90 = arith.index_cast %add3A_89 : i32 to index
        %swap3A_91 = tpu.vector_load %arg11[%swap3A_90] {strides = array<i32>} : memref<10240xf32, #tpu.memory_space<vmem>>, vector<16xf32>,
        tpu.vector_store %arg11[%swap3A_90], %broadcast_in_dim3A_60 {strides = array<i32>} : memref<10240xf32, #tpu.memory_space<vmem>>, vector<16xf32>,
      }
      %scan3A_33 = arith.constant 160 : i32
      %dma_wait3A = arith.constant 0 : i32
      %dma_wait3A_34 = arith.constant 0 : i32
      %dma_wait3A_35 = tpu.memref_slice %arg7[%dma_wait3A_34] : memref<16128xi32, #tpu.memory_space<vmem>> -> memref<4352xi32, #tpu.memory_space<vmem>>
      %dma_wait3A_36 = tpu.memref_slice %arg2[%dma_wait3A, %multiple_of3A] : memref<1x327680xi32, #tpu.memory_space<hbm>> -> memref<1x4352xi32, #tpu.memory_space<hbm>>
      %dma_wait3A_37 = tpu.memref_squeeze %dma_wait3A_36 : memref<1x4352xi32, #tpu.memory_space<hbm>> -> memref<4352xi32, #tpu.memory_space<hbm>>
      %dma_wait3A_38 = arith.constant 0 : i32
      %dma_wait3A_39 = tpu.memref_slice %arg7[%dma_wait3A_38] : memref<16128xi32, #tpu.memory_space<vmem>> -> memref<4352xi32, #tpu.memory_space<vmem>>
      %dma_wait3A_40 = tpu.memref_slice %arg2[%dma_wait3A, %multiple_of3A] : memref<1x327680xi32, #tpu.memory_space<hbm>> -> memref<1x4352xi32, #tpu.memory_space<hbm>>
      %dma_wait3A_41 = tpu.memref_squeeze %dma_wait3A_40 : memref<1x4352xi32, #tpu.memory_space<hbm>> -> memref<4352xi32, #tpu.memory_space<hbm>>
      tpu.wait_dma2 semaphore(%arg12 : memref<!tpu.dma_semaphore, #tpu.memory_space<semaphore_mem>>) src(%dma_wait3A_41 : memref<4352xi32, #tpu.memory_space<hbm>>) dst(%dma_wait3A_39 : memref<4352xi32, #tpu.memory_space<vmem>>)
      %dma_wait3A_42 = arith.constant 0 : i32
      %dma_wait3A_43 = arith.constant 0 : i32
      %dma_wait3A_44 = tpu.memref_slice %arg8[%dma_wait3A_43] : memref<16128xf32, #tpu.memory_space<vmem>> -> memref<4352xf32, #tpu.memory_space<vmem>>
      %dma_wait3A_45 = tpu.memref_slice %arg3[%dma_wait3A_42, %multiple_of3A] : memref<1x327680xf32, #tpu.memory_space<hbm>> -> memref<1x4352xf32, #tpu.memory_space<hbm>>
      %dma_wait3A_46 = tpu.memref_squeeze %dma_wait3A_45 : memref<1x4352xf32, #tpu.memory_space<hbm>> -> memref<4352xf32, #tpu.memory_space<hbm>>
      %dma_wait3A_47 = arith.constant 0 : i32
      %dma_wait3A_48 = tpu.memref_slice %arg8[%dma_wait3A_47] : memref<16128xf32, #tpu.memory_space<vmem>> -> memref<4352xf32, #tpu.memory_space<vmem>>
      %dma_wait3A_49 = tpu.memref_slice %arg3[%dma_wait3A_42, %multiple_of3A] : memref<1x327680xf32, #tpu.memory_space<hbm>> -> memref<1x4352xf32, #tpu.memory_space<hbm>>
      %dma_wait3A_50 = tpu.memref_squeeze %dma_wait3A_49 : memref<1x4352xf32, #tpu.memory_space<hbm>> -> memref<4352xf32, #tpu.memory_space<hbm>>
      tpu.wait_dma2 semaphore(%arg13 : memref<!tpu.dma_semaphore, #tpu.memory_space<semaphore_mem>>) src(%dma_wait3A_50 : memref<4352xf32, #tpu.memory_space<hbm>>) dst(%dma_wait3A_48 : memref<4352xf32, #tpu.memory_space<vmem>>)
      tpu.wait_dma2 semaphore(%arg14 : memref<!tpu.dma_semaphore, #tpu.memory_space<semaphore_mem>>) src(%arg4 : memref<10000xf32, #tpu.memory_space<hbm>>) dst(%arg9 : memref<10000xf32, #tpu.memory_space<vmem>>)
      %broadcast_in_dim3A = arith.constant 16383 : i32
      %broadcast_in_dim3A_51 = vector.broadcast %broadcast_in_dim3A : i32 to vector<16xi32>
      %broadcast_in_dim3A_52 = arith.constant 1.000000e+00 : f32
      %broadcast_in_dim3A_53 = vector.broadcast %broadcast_in_dim3A_52 : f32 to vector<16xf32>
      %parallel_loop3A = arith.constant 0 : i32
      %parallel_loop3A_54 = arith.constant 272 : i32
      %parallel_loop3A_55 = arith.constant 1 : i32
      scf.for %parallel_loop3A_56 = %parallel_loop3A to %parallel_loop3A_54 step %parallel_loop3A_55  : i32 {
        %parallel_loop3A_57 = arith.constant 16 : i32
        %parallel_loop3A_58 = arith.muli %parallel_loop3A_56, %parallel_loop3A_57 : i32
        %parallel_loop3A_59 = arith.index_cast %parallel_loop3A_58 : i32 to index
        %parallel_loop3A_60 = tpu.vector_load %arg7[%parallel_loop3A_59] {strides = array<i32>} : memref<16128xi32, #tpu.memory_space<vmem>>, vector<16xi32>,
        %parallel_loop3A_61 = arith.index_cast %parallel_loop3A_58 : i32 to index
        %parallel_loop3A_62 = tpu.vector_load %arg8[%parallel_loop3A_61] {strides = array<i32>} : memref<16128xf32, #tpu.memory_space<vmem>>, vector<16xf32>,
        %parallel_loop3A_63 = arith.andi %parallel_loop3A_60, %broadcast_in_dim3A_51 : vector<16xi32>
        %parallel_loop3A_64 = arith.constant 14 : i32
        %parallel_loop3A_65 = vector.broadcast %parallel_loop3A_64 : i32 to vector<16xi32>
        %parallel_loop3A_66 = arith.shrui %parallel_loop3A_60, %parallel_loop3A_65 : vector<16xi32>
        %parallel_loop3A_67 = tpu.vector_load_idx %arg9[%parallel_loop3A_63] : memref<10000xf32, #tpu.memory_space<vmem>>[vector<16xi32>], vector<16xf32>,
        %parallel_loop3A_68 = arith.addf %parallel_loop3A_67, %parallel_loop3A_62 : vector<16xf32>
        tpu.vector_store_idx %arg10[%parallel_loop3A_66], %parallel_loop3A_68 {add = true} : memref<10240xf32, #tpu.memory_space<vmem>>[vector<16xi32>], vector<16xf32>,
        tpu.vector_store_idx %arg11[%parallel_loop3A_66], %broadcast_in_dim3A_53 {add = true} : memref<10240xf32, #tpu.memory_space<vmem>>[vector<16xi32>], vector<16xf32>,
      } {sc.loop_unroll_factor = 4 : i64, sc.parallel_access}
    } else {
    }
    "tpu.region"() ({
      %run_scoped3A = tpu.sem_alloc : memref<!tpu.dma_semaphore, #tpu.memory_space<semaphore_mem>>
      %dma_start3A = arith.constant 0 : i32
      %dma_start3A_8 = tpu.memref_slice %arg5[%add3A, %dma_start3A] : memref<32x10240xf32, #tpu.memory_space<hbm>> -> memref<1x10240xf32, #tpu.memory_space<hbm>>
      %dma_start3A_9 = tpu.memref_squeeze %dma_start3A_8 : memref<1x10240xf32, #tpu.memory_space<hbm>> -> memref<10240xf32, #tpu.memory_space<hbm>>
      %dma_start3A_10 = arith.constant 0 : i32
      %dma_start3A_11 = tpu.memref_slice %arg5[%add3A, %dma_start3A_10] : memref<32x10240xf32, #tpu.memory_space<hbm>> -> memref<1x10240xf32, #tpu.memory_space<hbm>>
      %dma_start3A_12 = tpu.memref_squeeze %dma_start3A_11 : memref<1x10240xf32, #tpu.memory_space<hbm>> -> memref<10240xf32, #tpu.memory_space<hbm>>
      tpu.enqueue_dma source(%arg10 : memref<10240xf32, #tpu.memory_space<vmem>>) target(%dma_start3A_12 : memref<10240xf32, #tpu.memory_space<hbm>>) target_semaphore(%run_scoped3A : memref<!tpu.dma_semaphore, #tpu.memory_space<semaphore_mem>>)
      %dma_wait3A = arith.constant 0 : i32
      %dma_wait3A_13 = tpu.memref_slice %arg5[%add3A, %dma_wait3A] : memref<32x10240xf32, #tpu.memory_space<hbm>> -> memref<1x10240xf32, #tpu.memory_space<hbm>>
      %dma_wait3A_14 = tpu.memref_squeeze %dma_wait3A_13 : memref<1x10240xf32, #tpu.memory_space<hbm>> -> memref<10240xf32, #tpu.memory_space<hbm>>
      %dma_wait3A_15 = arith.constant 0 : i32
      %dma_wait3A_16 = tpu.memref_slice %arg5[%add3A, %dma_wait3A_15] : memref<32x10240xf32, #tpu.memory_space<hbm>> -> memref<1x10240xf32, #tpu.memory_space<hbm>>
      %dma_wait3A_17 = tpu.memref_squeeze %dma_wait3A_16 : memref<1x10240xf32, #tpu.memory_space<hbm>> -> memref<10240xf32, #tpu.memory_space<hbm>>
      tpu.wait_dma2 semaphore(%run_scoped3A : memref<!tpu.dma_semaphore, #tpu.memory_space<semaphore_mem>>) src(%arg10 : memref<10240xf32, #tpu.memory_space<vmem>>) dst(%dma_wait3A_17 : memref<10240xf32, #tpu.memory_space<hbm>>)
      tpu.yield
    }) : () -> ()
    "tpu.region"() ({
      %run_scoped3A = tpu.sem_alloc : memref<!tpu.dma_semaphore, #tpu.memory_space<semaphore_mem>>
      %dma_start3A = arith.constant 0 : i32
      %dma_start3A_8 = tpu.memref_slice %arg6[%add3A, %dma_start3A] : memref<32x10240xf32, #tpu.memory_space<hbm>> -> memref<1x10240xf32, #tpu.memory_space<hbm>>
      %dma_start3A_9 = tpu.memref_squeeze %dma_start3A_8 : memref<1x10240xf32, #tpu.memory_space<hbm>> -> memref<10240xf32, #tpu.memory_space<hbm>>
      %dma_start3A_10 = arith.constant 0 : i32
      %dma_start3A_11 = tpu.memref_slice %arg6[%add3A, %dma_start3A_10] : memref<32x10240xf32, #tpu.memory_space<hbm>> -> memref<1x10240xf32, #tpu.memory_space<hbm>>
      %dma_start3A_12 = tpu.memref_squeeze %dma_start3A_11 : memref<1x10240xf32, #tpu.memory_space<hbm>> -> memref<10240xf32, #tpu.memory_space<hbm>>
      tpu.enqueue_dma source(%arg11 : memref<10240xf32, #tpu.memory_space<vmem>>) target(%dma_start3A_12 : memref<10240xf32, #tpu.memory_space<hbm>>) target_semaphore(%run_scoped3A : memref<!tpu.dma_semaphore, #tpu.memory_space<semaphore_mem>>)
      %dma_wait3A = arith.constant 0 : i32
      %dma_wait3A_13 = tpu.memref_slice %arg6[%add3A, %dma_wait3A] : memref<32x10240xf32, #tpu.memory_space<hbm>> -> memref<1x10240xf32, #tpu.memory_space<hbm>>
      %dma_wait3A_14 = tpu.memref_squeeze %dma_wait3A_13 : memref<1x10240xf32, #tpu.memory_space<hbm>> -> memref<10240xf32, #tpu.memory_space<hbm>>
      %dma_wait3A_15 = arith.constant 0 : i32
      %dma_wait3A_16 = tpu.memref_slice %arg6[%add3A, %dma_wait3A_15] : memref<32x10240xf32, #tpu.memory_space<hbm>> -> memref<1x10240xf32, #tpu.memory_space<hbm>>
      %dma_wait3A_17 = tpu.memref_squeeze %dma_wait3A_16 : memref<1x10240xf32, #tpu.memory_space<hbm>> -> memref<10240xf32, #tpu.memory_space<hbm>>
      tpu.wait_dma2 semaphore(%run_scoped3A : memref<!tpu.dma_semaphore, #tpu.memory_space<semaphore_mem>>) src(%arg11 : memref<10240xf32, #tpu.memory_space<vmem>>) dst(%dma_wait3A_17 : memref<10240xf32, #tpu.memory_space<hbm>>)
      tpu.yield
    }) : () -> ()
    return
  }
}

module attributes {stable_mosaic.version = 14 : i64} {
  func.func @_edge_body(%arg0: i32, %arg1: memref<16x32768xf32, #tpu.memory_space<vmem>>, %arg2: memref<2x32768xi32, #tpu.memory_space<vmem>>, %arg3: memref<16x1xf32, #tpu.memory_space<vmem>>, %arg4: memref<1x32768xf32, #tpu.memory_space<vmem>>, %arg5: memref<1x32768xi32, #tpu.memory_space<vmem>>) attributes {dimension_semantics = [#tpu.dimension_semantics<arbitrary>], iteration_bounds = array<i64: 10>, scalar_prefetch = 0 : i64, scratch_operands = 0 : i64, tpu.core_type = #tpu.core_type<tc>, window_params = [{transform_indices = @transform_0, window_bounds = array<i64: 16, 32768>}, {transform_indices = @transform_1, window_bounds = array<i64: 2, 32768>}, {pipeline_mode = #tpu.pipeline_mode<synchronous>, transform_indices = @transform_2, window_bounds = array<i64: 16, 1>}, {transform_indices = @transform_3, window_bounds = array<i64: 1, 32768>}, {transform_indices = @transform_4, window_bounds = array<i64: 1, 32768>}]} {
    %mul3A = arith.constant 32768 : i32
    %mul3A_0 = arith.muli %arg0, %mul3A : i32
    %iota3A = tpu.iota {dimensions = array<i32: 1>} : vector<1x32768xi32>
    %add3A = vector.broadcast %mul3A_0 : i32 to vector<1x32768xi32>
    %add3A_1 = arith.addi %add3A, %iota3A : vector<1x32768xi32>
    %lt3A = arith.constant 320000 : i32
    %lt3A_2 = vector.broadcast %lt3A : i32 to vector<1x32768xi32>
    %lt3A_3 = arith.cmpi slt, %add3A_1, %lt3A_2 : vector<1x32768xi32>
    %get3A = arith.constant 0 : index
    %get3A_4 = arith.constant 0 : index
    %get3A_5 = vector.load %arg1[%get3A, %get3A_4] : memref<16x32768xf32, #tpu.memory_space<vmem>>, vector<16x32768xf32>
    %get3A_6 = arith.constant 0 : index
    %get3A_7 = arith.constant 0 : index
    %get3A_8 = vector.load %arg3[%get3A_6, %get3A_7] : memref<16x1xf32, #tpu.memory_space<vmem>>, vector<16x1xf32>
    %mul3A_9 = vector.broadcast %get3A_8 : vector<16x1xf32> to vector<16x32768xf32>
    %mul3A_10 = arith.mulf %get3A_5, %mul3A_9 : vector<16x32768xf32>
    %reduce_sum3A = arith.constant dense<0.000000e+00> : vector<32768xf32>
    %reduce_sum3A_11 = vector.multi_reduction <add>, %mul3A_10, %reduce_sum3A [0] : vector<16x32768xf32> to vector<32768xf32>
    %broadcast_in_dim3A = vector.shape_cast %reduce_sum3A_11 : vector<32768xf32> to vector<1x32768xf32>
    %jit3A = arith.constant 0.000000e+00 : f32
    %broadcast_in_dim3A_12 = vector.broadcast %jit3A : f32 to vector<1x32768xf32>
    %select_n3A = arith.select %lt3A_3, %broadcast_in_dim3A, %broadcast_in_dim3A_12 : vector<1x32768xi1>, vector<1x32768xf32>
    %swap3A = arith.constant 0 : index
    %swap3A_13 = arith.constant 0 : index
    %swap3A_14 = vector.load %arg4[%swap3A, %swap3A_13] : memref<1x32768xf32, #tpu.memory_space<vmem>>, vector<1x32768xf32>
    tpu.vector_store %arg4[%swap3A, %swap3A_13], %select_n3A {strides = array<i32>} : memref<1x32768xf32, #tpu.memory_space<vmem>>, vector<1x32768xf32>,
    %get3A_15 = arith.constant 1 : index
    %get3A_16 = arith.constant 0 : index
    %get3A_17 = vector.load %arg2[%get3A_15, %get3A_16] : memref<2x32768xi32, #tpu.memory_space<vmem>>, vector<1x32768xi32>
    %shift_left3A = arith.constant 14 : i32
    %shift_left3A_18 = vector.broadcast %shift_left3A : i32 to vector<1x32768xi32>
    %shift_left3A_19 = arith.shli %get3A_17, %shift_left3A_18 : vector<1x32768xi32>
    %get3A_20 = arith.constant 0 : index
    %get3A_21 = arith.constant 0 : index
    %get3A_22 = vector.load %arg2[%get3A_20, %get3A_21] : memref<2x32768xi32, #tpu.memory_space<vmem>>, vector<1x32768xi32>
    %or3A = arith.ori %shift_left3A_19, %get3A_22 : vector<1x32768xi32>
    %jit3A_23 = arith.constant 163840000 : i32
    %broadcast_in_dim3A_24 = vector.broadcast %jit3A_23 : i32 to vector<1x32768xi32>
    %select_n3A_25 = arith.select %lt3A_3, %or3A, %broadcast_in_dim3A_24 : vector<1x32768xi1>, vector<1x32768xi32>
    %swap3A_26 = arith.constant 0 : index
    %swap3A_27 = arith.constant 0 : index
    %swap3A_28 = vector.load %arg5[%swap3A_26, %swap3A_27] : memref<1x32768xi32, #tpu.memory_space<vmem>>, vector<1x32768xi32>
    tpu.vector_store %arg5[%swap3A_26, %swap3A_27], %select_n3A_25 {strides = array<i32>} : memref<1x32768xi32, #tpu.memory_space<vmem>>, vector<1x32768xi32>,
    return
  }
  func.func @transform_0(%arg0: i32) -> (i32, i32) {
    %c0_i32 = arith.constant 0 : i32
    %c0_i32_0 = arith.constant 0 : i32
    return %c0_i32, %arg0 : i32, i32
  }
  func.func @transform_1(%arg0: i32) -> (i32, i32) {
    %c0_i32 = arith.constant 0 : i32
    %c0_i32_0 = arith.constant 0 : i32
    return %c0_i32, %arg0 : i32, i32
  }
  func.func @transform_2(%arg0: i32) -> (i32, i32) {
    %c0_i32 = arith.constant 0 : i32
    %c0_i32_0 = arith.constant 0 : i32
    %c0_i32_1 = arith.constant 0 : i32
    return %c0_i32, %c0_i32_0 : i32, i32
  }
  func.func @transform_3(%arg0: i32) -> (i32, i32) {
    %c0_i32 = arith.constant 0 : i32
    %c0_i32_0 = arith.constant 0 : i32
    return %c0_i32, %arg0 : i32, i32
  }
  func.func @transform_4(%arg0: i32) -> (i32, i32) {
    %c0_i32 = arith.constant 0 : i32
    %c0_i32_0 = arith.constant 0 : i32
    return %c0_i32, %arg0 : i32, i32
  }
}

module attributes {stable_mosaic.version = 14 : i64} {
  func.func @_prep_body(%arg0: i32, %arg1: memref<1280x128xf32, #tpu.memory_space<vmem>>, %arg2: memref<272x128xf32, #tpu.memory_space<vmem>>, %arg3: memref<128xf32, #tpu.memory_space<vmem>>, %arg4: memref<256x128xf32, #tpu.memory_space<vmem>>, %arg5: memref<128xf32, #tpu.memory_space<vmem>>, %arg6: memref<128x1xf32, #tpu.memory_space<vmem>>, %arg7: memref<1xf32, #tpu.memory_space<vmem>>, %arg8: memref<8x1280xf32, #tpu.memory_space<vmem>>, %arg9: memref<16x1xf32, #tpu.memory_space<vmem>>, %arg10: memref<128x8xf32, #tpu.memory_space<vmem>>, %arg11: memref<2xf32, #tpu.memory_space<smem>>) attributes {dimension_semantics = [#tpu.dimension_semantics<arbitrary>], iteration_bounds = array<i64: 8>, scalar_prefetch = 0 : i64, scratch_operands = 2 : i64, tpu.core_type = #tpu.core_type<tc>, window_params = [{transform_indices = @transform_0, window_bounds = array<i64: 1280, 128>}, {pipeline_mode = #tpu.pipeline_mode<synchronous>, transform_indices = @transform_1, window_bounds = array<i64: 272, 128>}, {pipeline_mode = #tpu.pipeline_mode<synchronous>, transform_indices = @transform_2, window_bounds = array<i64: 128>}, {pipeline_mode = #tpu.pipeline_mode<synchronous>, transform_indices = @transform_3, window_bounds = array<i64: 256, 128>}, {pipeline_mode = #tpu.pipeline_mode<synchronous>, transform_indices = @transform_4, window_bounds = array<i64: 128>}, {pipeline_mode = #tpu.pipeline_mode<synchronous>, transform_indices = @transform_5, window_bounds = array<i64: 128, 1>}, {pipeline_mode = #tpu.pipeline_mode<synchronous>, transform_indices = @transform_6, window_bounds = array<i64: 1>}, {transform_indices = @transform_7, window_bounds = array<i64: 8, 1280>}, {pipeline_mode = #tpu.pipeline_mode<synchronous>, transform_indices = @transform_8, window_bounds = array<i64: 16, 1>}]} {
    %eq3A = arith.constant 0 : i32
    %eq3A_0 = arith.cmpi eq, %arg0, %eq3A : i32
    %convert_element_type3A = arith.extui %eq3A_0 : i1 to i32
    %cond3A = arith.constant 0 : i32
    %cond3A_1 = arith.cmpi ne, %convert_element_type3A, %cond3A : i32
    scf.if %cond3A_1 {
      %get3A_26 = arith.constant 0 : index
      %get3A_27 = arith.constant 0 : index
      %get3A_28 = vector.load %arg6[%get3A_26, %get3A_27] : memref<128x1xf32, #tpu.memory_space<vmem>>, vector<128x1xf32>
      %get3A_29 = arith.constant 0 : index
      %get3A_30 = arith.constant 0 : index
      %get3A_31 = vector.load %arg4[%get3A_29, %get3A_30] : memref<256x128xf32, #tpu.memory_space<vmem>>, vector<256x128xf32>
      %slice3A = vector.extract_strided_slice %get3A_31 {offsets = [0, 0], sizes = [128, 128], strides = [1, 1]} : vector<256x128xf32> to vector<128x128xf32>
      %dot_general3A_32 = arith.constant dense<0.000000e+00> : vector<128x1xf32>
      %dot_general3A_33 = tpu.matmul %slice3A, %get3A_28, %dot_general3A_32 {dimension_numbers = #tpu.dot_dimension_numbers<[1], [0], [0], [1], [0, 0, 1, 1], [], []>, precision = #tpu.contract_precision<fp32>, transpose_lhs_hint = false} : vector<128x128xf32>, vector<128x1xf32>, vector<128x1xf32> -> vector<128x1xf32>
      %slice3A_34 = vector.extract_strided_slice %get3A_31 {offsets = [128, 0], sizes = [128, 128], strides = [1, 1]} : vector<256x128xf32> to vector<128x128xf32>
      %dot_general3A_35 = arith.constant dense<0.000000e+00> : vector<128x1xf32>
      %dot_general3A_36 = tpu.matmul %slice3A_34, %get3A_28, %dot_general3A_35 {dimension_numbers = #tpu.dot_dimension_numbers<[1], [0], [0], [1], [0, 0, 1, 1], [], []>, precision = #tpu.contract_precision<fp32>, transpose_lhs_hint = false} : vector<128x128xf32>, vector<128x1xf32>, vector<128x1xf32> -> vector<128x1xf32>
      %get3A_37 = arith.constant 0 : index
      %get3A_38 = arith.constant 0 : index
      %get3A_39 = vector.load %arg2[%get3A_37, %get3A_38] : memref<272x128xf32, #tpu.memory_space<vmem>>, vector<272x128xf32>
      %slice3A_40 = vector.extract_strided_slice %get3A_39 {offsets = [0, 0], sizes = [128, 128], strides = [1, 1]} : vector<272x128xf32> to vector<128x128xf32>
      %dot_general3A_41 = arith.constant dense<0.000000e+00> : vector<128x1xf32>
      %dot_general3A_42 = tpu.matmul %slice3A_40, %dot_general3A_36, %dot_general3A_41 {dimension_numbers = #tpu.dot_dimension_numbers<[1], [0], [0], [1], [0, 0, 1, 1], [], []>, precision = #tpu.contract_precision<fp32>, transpose_lhs_hint = false} : vector<128x128xf32>, vector<128x1xf32>, vector<128x1xf32> -> vector<128x1xf32>
      %slice3A_43 = vector.extract_strided_slice %get3A_39 {offsets = [128, 0], sizes = [128, 128], strides = [1, 1]} : vector<272x128xf32> to vector<128x128xf32>
      %dot_general3A_44 = arith.constant dense<0.000000e+00> : vector<128x1xf32>
      %dot_general3A_45 = tpu.matmul %slice3A_43, %dot_general3A_36, %dot_general3A_44 {dimension_numbers = #tpu.dot_dimension_numbers<[1], [0], [0], [1], [0, 0, 1, 1], [], []>, precision = #tpu.contract_precision<fp32>, transpose_lhs_hint = false} : vector<128x128xf32>, vector<128x1xf32>, vector<128x1xf32> -> vector<128x1xf32>
      %slice3A_46 = vector.extract_strided_slice %get3A_39 {offsets = [256, 0], sizes = [16, 128], strides = [1, 1]} : vector<272x128xf32> to vector<16x128xf32>
      %dot_general3A_47 = arith.constant dense<0.000000e+00> : vector<16x1xf32>
      %dot_general3A_48 = tpu.matmul %slice3A_46, %dot_general3A_36, %dot_general3A_47 {dimension_numbers = #tpu.dot_dimension_numbers<[1], [0], [0], [1], [0, 0, 1, 1], [], []>, precision = #tpu.contract_precision<fp32>, transpose_lhs_hint = false} : vector<16x128xf32>, vector<128x1xf32>, vector<16x1xf32> -> vector<16x1xf32>
      %get3A_49 = arith.constant 0 : index
      %get3A_50 = vector.load %arg5[%get3A_49] : memref<128xf32, #tpu.memory_space<vmem>>, vector<128xf32>
      %squeeze3A = vector.shape_cast %get3A_28 : vector<128x1xf32> to vector<128xf32>
      %mul3A = arith.mulf %get3A_50, %squeeze3A : vector<128xf32>
      %reduce_sum3A = vector.shape_cast %mul3A : vector<128xf32> to vector<1x128xf32>
      %reduce_sum3A_51 = arith.constant dense<0.000000e+00> : vector<1xf32>
      %reduce_sum3A_52 = vector.multi_reduction <add>, %reduce_sum3A, %reduce_sum3A_51 [1] : vector<1x128xf32> to vector<1xf32>
      %reduce_sum3A_53 = vector.shape_cast %reduce_sum3A_52 : vector<1xf32> to vector<1x1xf32>
      %reduce_sum3A_54 = vector.extract %reduce_sum3A_53[0, 0] : f32 from vector<1x1xf32>
      %get3A_55 = arith.constant 0 : index
      %get3A_56 = vector.load %arg7[%get3A_55] : memref<1xf32, #tpu.memory_space<vmem>>, vector<1xf32>
      %reduce_sum3A_57 = vector.shape_cast %get3A_56 : vector<1xf32> to vector<1x1xf32>
      %reduce_sum3A_58 = arith.constant dense<0.000000e+00> : vector<1xf32>
      %reduce_sum3A_59 = vector.multi_reduction <add>, %reduce_sum3A_57, %reduce_sum3A_58 [1] : vector<1x1xf32> to vector<1xf32>
      %reduce_sum3A_60 = vector.shape_cast %reduce_sum3A_59 : vector<1xf32> to vector<1x1xf32>
      %reduce_sum3A_61 = vector.extract %reduce_sum3A_60[0, 0] : f32 from vector<1x1xf32>
      %add3A_62 = arith.addf %reduce_sum3A_54, %reduce_sum3A_61 : f32
      %swap3A_63 = arith.constant 0 : index
      %swap3A_64 = memref.load %arg11[%swap3A_63] : memref<2xf32, #tpu.memory_space<smem>>
      memref.store %add3A_62, %arg11[%swap3A_63] : memref<2xf32, #tpu.memory_space<smem>>
      %get3A_65 = arith.constant 0 : index
      %get3A_66 = vector.load %arg3[%get3A_65] : memref<128xf32, #tpu.memory_space<vmem>>, vector<128xf32>
      %squeeze3A_67 = vector.shape_cast %dot_general3A_36 : vector<128x1xf32> to vector<128xf32>
      %mul3A_68 = arith.mulf %get3A_66, %squeeze3A_67 : vector<128xf32>
      %reduce_sum3A_69 = vector.shape_cast %mul3A_68 : vector<128xf32> to vector<1x128xf32>
      %reduce_sum3A_70 = arith.constant dense<0.000000e+00> : vector<1xf32>
      %reduce_sum3A_71 = vector.multi_reduction <add>, %reduce_sum3A_69, %reduce_sum3A_70 [1] : vector<1x128xf32> to vector<1xf32>
      %reduce_sum3A_72 = vector.shape_cast %reduce_sum3A_71 : vector<1xf32> to vector<1x1xf32>
      %reduce_sum3A_73 = vector.extract %reduce_sum3A_72[0, 0] : f32 from vector<1x1xf32>
      %swap3A_74 = arith.constant 1 : index
      %swap3A_75 = memref.load %arg11[%swap3A_74] : memref<2xf32, #tpu.memory_space<smem>>
      memref.store %reduce_sum3A_73, %arg11[%swap3A_74] : memref<2xf32, #tpu.memory_space<smem>>
      %broadcast_in_dim3A_76 = arith.constant 0.000000e+00 : f32
      %broadcast_in_dim3A_77 = vector.broadcast %broadcast_in_dim3A_76 : f32 to vector<128x5xf32>
      %concatenate3A = tpu.concatenate %dot_general3A_33, %dot_general3A_42, %dot_general3A_45, %broadcast_in_dim3A_77 in 1 : vector<128x1xf32>, vector<128x1xf32>, vector<128x1xf32>, vector<128x5xf32> -> vector<128x8xf32>
      %swap3A_78 = arith.constant 0 : index
      %swap3A_79 = arith.constant 0 : index
      %swap3A_80 = vector.load %arg10[%swap3A_78, %swap3A_79] : memref<128x8xf32, #tpu.memory_space<vmem>>, vector<128x8xf32>
      tpu.vector_store %arg10[%swap3A_78, %swap3A_79], %concatenate3A {strides = array<i32>} : memref<128x8xf32, #tpu.memory_space<vmem>>, vector<128x8xf32>,
      %swap3A_81 = arith.constant 0 : index
      %swap3A_82 = arith.constant 0 : index
      %swap3A_83 = vector.load %arg9[%swap3A_81, %swap3A_82] : memref<16x1xf32, #tpu.memory_space<vmem>>, vector<16x1xf32>
      tpu.vector_store %arg9[%swap3A_81, %swap3A_82], %dot_general3A_48 {strides = array<i32>} : memref<16x1xf32, #tpu.memory_space<vmem>>, vector<16x1xf32>,
    } else {
    }
    %get3A = arith.constant 0 : index
    %get3A_2 = arith.constant 0 : index
    %get3A_3 = vector.load %arg10[%get3A, %get3A_2] : memref<128x8xf32, #tpu.memory_space<vmem>>, vector<128x8xf32>
    %get3A_4 = arith.constant 0 : index
    %get3A_5 = arith.constant 0 : index
    %get3A_6 = vector.load %arg1[%get3A_4, %get3A_5] : memref<1280x128xf32, #tpu.memory_space<vmem>>, vector<1280x128xf32>
    %dot_general3A = arith.constant dense<0.000000e+00> : vector<8x1280xf32>
    %dot_general3A_7 = tpu.matmul %get3A_3, %get3A_6, %dot_general3A {dimension_numbers = #tpu.dot_dimension_numbers<[0], [1], [1], [0], [0, 1, 1, 0], [], []>, precision = #tpu.contract_precision<fp32>, transpose_lhs_hint = false} : vector<128x8xf32>, vector<1280x128xf32>, vector<8x1280xf32> -> vector<8x1280xf32>
    %iota3A = tpu.iota {dimensions = array<i32: 0>} : vector<8x1280xi32>
    %eq3A_8 = arith.constant 0 : i32
    %eq3A_9 = vector.broadcast %eq3A_8 : i32 to vector<8x1280xi32>
    %eq3A_10 = arith.cmpi eq, %iota3A, %eq3A_9 : vector<8x1280xi32>
    %get3A_11 = arith.constant 0 : index
    %get3A_12 = memref.load %arg11[%get3A_11] : memref<2xf32, #tpu.memory_space<smem>>
    %jit3A = arith.constant 0.000000e+00 : f32
    %broadcast_in_dim3A = vector.broadcast %get3A_12 : f32 to vector<8x1280xf32>
    %broadcast_in_dim3A_13 = vector.broadcast %jit3A : f32 to vector<8x1280xf32>
    %select_n3A = arith.select %eq3A_10, %broadcast_in_dim3A, %broadcast_in_dim3A_13 : vector<8x1280xi1>, vector<8x1280xf32>
    %add3A = arith.addf %dot_general3A_7, %select_n3A : vector<8x1280xf32>
    %eq3A_14 = arith.constant 1 : i32
    %eq3A_15 = vector.broadcast %eq3A_14 : i32 to vector<8x1280xi32>
    %eq3A_16 = arith.cmpi eq, %iota3A, %eq3A_15 : vector<8x1280xi32>
    %get3A_17 = arith.constant 1 : index
    %get3A_18 = memref.load %arg11[%get3A_17] : memref<2xf32, #tpu.memory_space<smem>>
    %jit3A_19 = arith.constant 0.000000e+00 : f32
    %broadcast_in_dim3A_20 = vector.broadcast %get3A_18 : f32 to vector<8x1280xf32>
    %broadcast_in_dim3A_21 = vector.broadcast %jit3A_19 : f32 to vector<8x1280xf32>
    %select_n3A_22 = arith.select %eq3A_16, %broadcast_in_dim3A_20, %broadcast_in_dim3A_21 : vector<8x1280xi1>, vector<8x1280xf32>
    %add3A_23 = arith.addf %add3A, %select_n3A_22 : vector<8x1280xf32>
    %swap3A = arith.constant 0 : index
    %swap3A_24 = arith.constant 0 : index
    %swap3A_25 = vector.load %arg8[%swap3A, %swap3A_24] : memref<8x1280xf32, #tpu.memory_space<vmem>>, vector<8x1280xf32>
    tpu.vector_store %arg8[%swap3A, %swap3A_24], %add3A_23 {strides = array<i32>} : memref<8x1280xf32, #tpu.memory_space<vmem>>, vector<8x1280xf32>,
    return
  }
  func.func @transform_0(%arg0: i32) -> (i32, i32) {
    %c0_i32 = arith.constant 0 : i32
    %c0_i32_0 = arith.constant 0 : i32
    return %arg0, %c0_i32 : i32, i32
  }
  func.func @transform_1(%arg0: i32) -> (i32, i32) {
    %c0_i32 = arith.constant 0 : i32
    %c0_i32_0 = arith.constant 0 : i32
    %c0_i32_1 = arith.constant 0 : i32
    return %c0_i32, %c0_i32_0 : i32, i32
  }
  func.func @transform_2(%arg0: i32) -> i32 {
    %c0_i32 = arith.constant 0 : i32
    %c0_i32_0 = arith.constant 0 : i32
    return %c0_i32 : i32
  }
  func.func @transform_3(%arg0: i32) -> (i32, i32) {
    %c0_i32 = arith.constant 0 : i32
    %c0_i32_0 = arith.constant 0 : i32
    %c0_i32_1 = arith.constant 0 : i32
    return %c0_i32, %c0_i32_0 : i32, i32
  }
  func.func @transform_4(%arg0: i32) -> i32 {
    %c0_i32 = arith.constant 0 : i32
    %c0_i32_0 = arith.constant 0 : i32
    return %c0_i32 : i32
  }
  func.func @transform_5(%arg0: i32) -> (i32, i32) {
    %c0_i32 = arith.constant 0 : i32
    %c0_i32_0 = arith.constant 0 : i32
    %c0_i32_1 = arith.constant 0 : i32
    return %c0_i32, %c0_i32_0 : i32, i32
  }
  func.func @transform_6(%arg0: i32) -> i32 {
    %c0_i32 = arith.constant 0 : i32
    %c0_i32_0 = arith.constant 0 : i32
    return %c0_i32 : i32
  }
  func.func @transform_7(%arg0: i32) -> (i32, i32) {
    %c0_i32 = arith.constant 0 : i32
    %c0_i32_0 = arith.constant 0 : i32
    return %c0_i32, %arg0 : i32, i32
  }
  func.func @transform_8(%arg0: i32) -> (i32, i32) {
    %c0_i32 = arith.constant 0 : i32
    %c0_i32_0 = arith.constant 0 : i32
    %c0_i32_1 = arith.constant 0 : i32
    return %c0_i32, %c0_i32_0 : i32, i32
  }
}

module attributes {stable_mosaic.version = 14 : i64} {
  func.func @_combine_body(%arg0: memref<8x10000xf32, #tpu.memory_space<vmem>>, %arg1: memref<32x10240xf32, #tpu.memory_space<vmem>>, %arg2: memref<32x10240xf32, #tpu.memory_space<vmem>>, %arg3: memref<1x10000xf32, #tpu.memory_space<vmem>>) attributes {dimension_semantics = [], scalar_prefetch = 0 : i64, scratch_operands = 0 : i64, tpu.core_type = #tpu.core_type<tc>} {
    %get3A = arith.constant 0 : index
    %get3A_0 = arith.constant 0 : index
    %get3A_1 = vector.load %arg1[%get3A, %get3A_0] : memref<32x10240xf32, #tpu.memory_space<vmem>>, vector<32x10000xf32>
    %reduce_sum3A = arith.constant dense<0.000000e+00> : vector<10000xf32>
    %reduce_sum3A_2 = vector.multi_reduction <add>, %get3A_1, %reduce_sum3A [0] : vector<32x10000xf32> to vector<10000xf32>
    %broadcast_in_dim3A = vector.shape_cast %reduce_sum3A_2 : vector<10000xf32> to vector<1x10000xf32>
    %get3A_3 = arith.constant 0 : index
    %get3A_4 = arith.constant 0 : index
    %get3A_5 = vector.load %arg2[%get3A_3, %get3A_4] : memref<32x10240xf32, #tpu.memory_space<vmem>>, vector<32x10000xf32>
    %reduce_sum3A_6 = arith.constant dense<0.000000e+00> : vector<10000xf32>
    %reduce_sum3A_7 = vector.multi_reduction <add>, %get3A_5, %reduce_sum3A_6 [0] : vector<32x10000xf32> to vector<10000xf32>
    %broadcast_in_dim3A_8 = vector.shape_cast %reduce_sum3A_7 : vector<10000xf32> to vector<1x10000xf32>
    %get3A_9 = arith.constant 0 : index
    %get3A_10 = arith.constant 0 : index
    %get3A_11 = vector.load %arg0[%get3A_9, %get3A_10] : memref<8x10000xf32, #tpu.memory_space<vmem>>, vector<1x10000xf32>
    %get3A_12 = arith.constant 1 : index
    %get3A_13 = arith.constant 0 : index
    %get3A_14 = vector.load %arg0[%get3A_12, %get3A_13] : memref<8x10000xf32, #tpu.memory_space<vmem>>, vector<1x10000xf32>
    %gt3A = arith.constant 0.000000e+00 : f32
    %gt3A_15 = vector.broadcast %gt3A : f32 to vector<1x10000xf32>
    %gt3A_16 = arith.cmpf ogt, %broadcast_in_dim3A_8, %gt3A_15 : vector<1x10000xf32>
    %max3A = arith.constant 1.000000e+00 : f32
    %max3A_17 = vector.broadcast %max3A : f32 to vector<1x10000xf32>
    %max3A_18 = arith.maximumf %broadcast_in_dim3A_8, %max3A_17 : vector<1x10000xf32>
    %div3A = arith.divf %broadcast_in_dim3A, %max3A_18 : vector<1x10000xf32>
    %add3A = arith.addf %get3A_14, %div3A : vector<1x10000xf32>
    %jit3A = arith.constant 0.000000e+00 : f32
    %broadcast_in_dim3A_19 = vector.broadcast %jit3A : f32 to vector<1x10000xf32>
    %select_n3A = arith.select %gt3A_16, %add3A, %broadcast_in_dim3A_19 : vector<1x10000xi1>, vector<1x10000xf32>
    %add3A_20 = arith.addf %get3A_11, %select_n3A : vector<1x10000xf32>
    %swap3A = arith.constant 0 : index
    %swap3A_21 = arith.constant 0 : index
    %swap3A_22 = vector.load %arg3[%swap3A, %swap3A_21] : memref<1x10000xf32, #tpu.memory_space<vmem>>, vector<1x10000xf32>
    tpu.vector_store %arg3[%swap3A, %swap3A_21], %add3A_20 {strides = array<i32>} : memref<1x10000xf32, #tpu.memory_space<vmem>>, vector<1x10000xf32>,
    return
  }
}

</mosaic_0001>

<sc_bundles>
// kernel: kernel.6.cloned.1.call-start
scs
__scs_entry_jumppad:
0x0: {  	(pc) =	sbr.rel $0x88, $3  }
0x1: {  	(tag) =	ssettag $0x0;
	lr =	simm.s32 $0x1  }
0x2: {  	[smem:$0x3F98] =	sst lr;
	_ =	strace $0xD0000000  }
0x3: {  	_ = 	snop  }
0x4: {  	_ = 	snop  }
0x5: {  	_ = 	snop  }
0x6: {  	_ = 	snop  }
0x7: {  	_ = 	snop  }
__scs_overlays_trampoline_lowered:
0x8: {  	[smem:$0x3FA7] =	sst s0  }
0x9: {  	[smem:$0x3FA8] =	sst s1  }
0xa: {  	[smem:$0x3FA9] =	sst s2  }
0xb: {  	[smem:$0x3FAA] =	sst s3  }
0xc: {  	[smem:$0x3FAB] =	sst s4  }
0xd: {  	[smem:$0x3FAC] =	sst s5  }
0xe: {  	[smem:$0x3FAD] =	sst s6  }
0xf: {  	[smem:$0x3FAE] =	sst s7  }
0x10: {  	[smem:$0x3FAF] =	sst s8  }
0x11: {  	[smem:$0x3FB0] =	sst s9;
	s0 =	simm.s32 @!p0 $0x0  }
0x12: {  	s1 =	sld [smem:$0x3F96];
	s0 =	simm.s32 @p0 $0x1  }
0x13: {  	[smem:$0x3FB1] =	sst s0;
	s0 =	simm.s32 @!p1 $0x0  }
0x14: {  	s2 =	sld [smem:$0x3F95];
	s0 =	simm.s32 @p1 $0x1  }
0x15: {  	[smem:$0x3FB2] =	sst s0;
	s0 =	simm.s32 @!p2 $0x0  }
0x16: {  	s3 =	sld [smem:$0x3FDB];
	s0 =	simm.s32 @p2 $0x1  }
0x17: {  	s4 =	simm.s32 $0x1BF5;
	[smem:$0x3FB4] =	sst s0  }
0x18: {  	s0 =	sld [smem:$0x3F97];
	_ =	swait.ge [sflag:s4], $0x0  }
0x19: {  	s7 =	sld [smem:$0x3F98]  }
0x1a: {  	s8 =	sadd.s32 $0xFFFFE003, lr  }
0x1b: {  	s9 =	sadd.s32 $0xFFFFFEF7, lr;
	s5 =	simm.s32 $0xFFFFFFFF;
	p2 =	slt.u32 s8, $0xFFFFF086  }
0x1c: {  	p1 =	slt.u32 s9, $0xF7A;
	s5 =	simm.s32 @!p2 $0x0  }
0x1d: {  	s5 =	simm.s32 @p1 $0x1;
	p0 =	seq.s32 s7, s2  }
0x1e: {  	s7 =	smul.u32 @!p0 $0xF7A, s2;
	p2 =	seq.s32 @!p0 s5, $0x0  }
0x1f: {  	s9 =	smul.u32 $0xF7A, s1;
	s8 =	simm.s32 @!p0 $0x1BF5;
	p2 =	por !p2, p0  }
0x20: {  	[sflag:s8] =	ssyncset.s32 @!p0 $0xFFFFF086;
	s6 =	sadd.s32 @!p0 s3, s7;
	s7 =	simm.s32 @!p0 $0x108  }
0x21: {  	s3 =	sadd.s32 s3, s9;
	s6 =	sadd.s32 @!p0 $0x88, s6;
	s7 =	simm.s32 @p2 $0x1082  }
0x22: {  	[simem:s7], [sflag:s8] =	dma.local @!p0 [hbm:s6], $0xF7A  }
0x23: {  	s9 =	sor.u32 $0xD0000000, s2;
	s6 =	simm.s32 $0x108;
	_ =	swait.ge @!p0 [sflag:s8], $0x0  }
0x24: {  	s3 =	sadd.s32 $0x88, s3;
	s6 =	simm.s32 @!p1 $0x1082;
	[sflag:s4] =	ssyncset.s32 $0xFFFFF086  }
0x25: {  	[simem:s6], [sflag:s4] =	dma.local [hbm:s3], $0xF7A  }
0x26: {  	[smem:$0x3F98] =	sst s1;
	(tag) =	ssettag s2;
	_ =	strace s9  }
0x27: {  	s1 =	sld [smem:$0x3FA8]  }
0x28: {  	s2 =	sld [smem:$0x3FA9]  }
0x29: {  	s4 =	sld [smem:$0x3FAB]  }
0x2a: {  	p0 =	seq.s32 s5, $0x0;
	s5 =	sld [smem:$0x3FAC]  }
0x2b: {  	s6 =	sld [smem:$0x3FAD]  }
0x2c: {  	s7 =	sld [smem:$0x3FAE]  }
0x2d: {  	s3 =	simm.s32 $0x108;
	s8 =	sld [smem:$0x3FAF]  }
0x2e: {  	s3 =	simm.s32 @!p0 $0x1082;
	s9 =	sld [smem:$0x3FB0]  }
0x2f: {  	lr =	sadd.s32 s0, s3;
	s0 =	sld [smem:$0x3FA7]  }
0x30: {  	s3 =	sld [smem:$0x3FAA]  }
0x31: {  	[smem:$0x3FB3] =	sst s10  }
0x32: {  	s10 =	sld [smem:$0x3FB1];
	_ =	sdelay $0x3  }
0x33: {  	p0 =	seq.s32 s10, $0x1;
	s10 =	sld [smem:$0x3FB3];
	_ =	sdelay $0x3  }
0x34: {  	[smem:$0x3FB3] =	sst s10  }
0x35: {  	s10 =	sld [smem:$0x3FB2];
	_ =	sdelay $0x3  }
0x36: {  	p1 =	seq.s32 s10, $0x1;
	s10 =	sld [smem:$0x3FB3];
	_ =	sdelay $0x3  }
0x37: {  	[smem:$0x3FB3] =	sst s10  }
0x38: {  	s10 =	sld [smem:$0x3FB4]  }
0x39: {  	_ = 	snop;
	(pc) =	sbr.ind lr, $3  }
0x3a: {  	_ = 	snop  }
0x3b: {  	_ = 	snop  }
0x3c: {  	p2 =	seq.s32 s10, $0x1;
	s10 =	sld [smem:$0x3FB3]  }
0x3d: {  	_ =	shalt  }
0x3e: {  	_ =	shalt  }
0x3f: {  	_ =	shalt  }
0x40: {  	_ =	shalt  }
0x41: {  	_ =	shalt  }
0x42: {  	_ =	shalt  }
0x43: {  	_ =	shalt  }
0x44: {  	_ =	shalt  }
0x45: {  	_ =	shalt  }
0x46: {  	_ =	shalt  }
0x47: {  	_ =	shalt  }
0x48: {  	_ =	shalt  }
0x49: {  	_ =	shalt  }
0x4a: {  	_ =	shalt  }
0x4b: {  	_ =	shalt  }
0x4c: {  	_ =	shalt  }
0x4d: {  	_ =	shalt  }
0x4e: {  	_ =	shalt  }
0x4f: {  	_ =	shalt  }
0x50: {  	_ =	shalt  }
0x51: {  	_ =	shalt  }
0x52: {  	_ =	shalt  }
0x53: {  	_ =	shalt  }
0x54: {  	_ =	shalt  }
0x55: {  	_ =	shalt  }
0x56: {  	_ =	shalt  }
0x57: {  	_ =	shalt  }
0x58: {  	_ =	shalt  }
0x59: {  	_ =	shalt  }
0x5a: {  	_ =	shalt  }
0x5b: {  	_ =	shalt  }
0x5c: {  	_ =	shalt  }
0x5d: {  	_ =	shalt  }
0x5e: {  	_ =	shalt  }
0x5f: {  	_ =	shalt  }
0x60: {  	_ =	shalt  }
0x61: {  	_ =	shalt  }
0x62: {  	_ =	shalt  }
0x63: {  	_ =	shalt  }
0x64: {  	_ =	shalt  }
0x65: {  	_ =	shalt  }
0x66: {  	_ =	shalt  }
0x67: {  	_ =	shalt  }
0x68: {  	_ =	shalt  }
0x69: {  	_ =	shalt  }
0x6a: {  	_ =	shalt  }
0x6b: {  	_ =	shalt  }
0x6c: {  	_ =	shalt  }
0x6d: {  	_ =	shalt  }
0x6e: {  	_ =	shalt  }
0x6f: {  	_ =	shalt  }
0x70: {  	_ =	shalt  }
0x71: {  	_ =	shalt  }
0x72: {  	_ =	shalt  }
0x73: {  	_ =	shalt  }
0x74: {  	_ =	shalt  }
0x75: {  	_ =	shalt  }
0x76: {  	_ =	shalt  }
0x77: {  	_ =	shalt  }
0x78: {  	_ =	shalt  }
0x79: {  	_ =	shalt  }
0x7a: {  	_ =	shalt  }
0x7b: {  	_ =	shalt  }
0x7c: {  	_ =	shalt  }
0x7d: {  	_ =	shalt  }
0x7e: {  	_ =	shalt  }
0x7f: {  	_ =	shalt  }
0x80: {  	_ =	shalt  }
0x81: {  	_ =	shalt  }
0x82: {  	_ =	shalt  }
0x83: {  	_ =	shalt  }
0x84: {  	_ =	shalt  }
0x85: {  	_ =	shalt  }
0x86: {  	_ =	shalt  }
0x87: {  	_ =	shalt  }
.Lfunc_end0:
.L_simem_size_0:
called_computation_lowered:
.L_overlay_start_0:
0x88: {  	s2 =	sld [smem:$0x3FD9]  }
0x89: {  	s3 =	sld [smem:$0x3FFE];
	_ =	sdelay $0x1  }
0x8a: {  	s1 =	srdreg.scid  }
0x8b: {  	s0 =	sand.u32 $0x1, s1  }
0x8c: {  	s16 =	sshll.u32 s0, $0xA;
	s2 =	sadd.s32 s3, s2  }
0x8d: {  	s2 =	sadd.s32 s2, s16  }
0x8e: {  	[smem:$0x3FBF] =	sst s2  }
0x8f: {  	_ = 	snop  }
0x90: {  	(tm) =	ssettm $0x1  }
0x91: {  	s17 =	sld [smem:$0x3FFB];
	_ =	sdelay $0x3  }
0x92: {  	_ =	strace s17  }
0x93: {  	s2 =	sld [smem:$0x3FFC];
	_ =	sdelay $0x3  }
0x94: {  	_ =	strace s2  }
0x95: {  	s2 =	sld [smem:$0x3FFD];
	_ =	sdelay $0x3  }
0x96: {  	_ =	strace s2  }
0x97: {  	_ =	strace $0x8FFFFFFF  }
0x98: {  	s18 =	sld [smem:$0x3FDB];
	_ =	sdelay $0x1  }
0x99: {  	s19 =	simm.s32 $_scs_section_size  }
0x9a: {  	s4 =	simm.s32 $_size__tile_overlayer_lowered;
	s5 =	simm.s32 $_tile_overlayer_lowered  }
0x9b: {  	s22 =	simm.s32 $0x1BFF;
	s21 =	sshll.u32 s5, $0x1;
	s2 =	sadd.s32 s19, s18  }
0x9c: {  	s6 =	simm.s32 $0x0;
	s20 =	sshll.u32 s4, $0x1;
	s4 =	sadd.s32 s21, s2  }
0x9d: {  	[timem:s6], [sflag:s22] =	dma.local [hbm:s4], s20  }
0x9e: {  	_ =	swait.ge [sflag:s22], s20  }
0x9f: {  	s3 =	ssub.s32 $0x0, s20;
	[sflag:s22] =	ssyncset.done $0x0  }
0xa0: {  	[sflag:s22] =	ssyncadd.s32 s3;
	_ =	sdelay $0x1  }
0xa1: {  	s23 =	simm.s32 $0x1B8B  }
0xa2: {  	_ =	swait.ge [sflag:s23], $0x1  }
0xa3: {  	[sflag:s23] =	ssyncset.done $0x0  }
0xa4: {  	s25 =	simm.s32 $0x1B8E;
	s24 =	sld [smem:$0x3FFE];
	[sflag:s23] =	ssyncadd.s32 $0xFFFFFFFF  }
0xa5: {  	s26 =	simm.s32 $execute0_lowered;
	[smem:$0x3FD2] =	sst s25  }
0xa6: {  	s4 =	sshll.u32 s26, $0x1;
	_ =	strace $0x80000046;
	[dreg:$0x1] =	wrdreg $0xFFFFFFFF  }
0xa7: {  	s28 =	simm.s32 $_size_execute0_lowered;
	s2 =	sadd.s32 s2, s4;
	[dreg:$0x0] =	wrdreg $0x0  }
0xa8: {  	s4 =	sshll.u32 s28, $0x1;
	[dreg:$0x2] =	wrdreg s2  }
0xa9: {  	[dreg:$0x3] =	wrdreg s4  }
0xaa: {  	[dreg:$0x4] =	wrdreg $0xC0  }
0xab: {  	_ =	task [dreg:s6], $0x5FFFF  }
0xac: {  	[dreg:$0x1] =	wrdreg $0xFFFFFFFF  }
0xad: {  	[dreg:$0x0] =	wrdreg $0x60  }
0xae: {  	[dreg:$0x2] =	wrdreg s24  }
0xaf: {  	[dreg:$0x3] =	wrdreg $0x9  }
0xb0: {  	_ =	task.clear_ibuf [dreg:s6], $0x4FFFF;
	_ =	strace $0x90000046  }
0xb1: {  	s29 =	simm.s32 $0x9;
	_ =	strace $0x80000048  }
0xb2: {  	_ =	swait.ge [sflag:s29], $0x1  }
0xb3: {  	[sflag:s29] =	ssyncadd.s32 $0xFFFFFFFF  }
0xb4: {  	_ =	strace $0x90000048  }
0xb5: {  	_ =	sfence  }
0xb6: {  	s30 =	sld [smem:$0x0];
	_ =	sdelay $0x2  }
0xb7: {  	s31 =	sshll.u32 s1, $0xD;
	s1 =	sshrl.u32 s1, $0x2  }
0xb8: {  	s3 =	sand.u32 $0x4000, s31;
	s1 =	sadd.s32 s1, s30  }
0xb9: {  	s0 =	sor.u32 s3, s0;
	s1 =	sshll.u32 s1, $0x11  }
0xba: {  	s0 =	sor.u32 s1, s0  }
0xbb: {  	s0 =	sadd.s32 $0x8F2B, s0  }
0xbc: {  	[sflag:s0] =	ssyncadd.remote.s32 $0x1  }
0xbd: {  	_ =	sfence.sel $0xFFFF  }
0xbe: {  	[dreg:$0x0] =	wrdreg $0xFFFFFFFF;
	(pc) =	sbr.abs _section_cstart, $3  }
0xbf: {  	[dreg:$0x1] =	wrdreg $0xFFFFFFFF  }
0xc0: {  	_ =	task.clear_ibuf [dreg:s6], $0x2FFFF;
	_ =	strace $0x9FFFFFFF  }
0xc1: {  	(tm) =	ssettm $0x7FFFFFFF  }
tec
execute0_lowered:
.L_overlay_start_1:
0x0: {  	(tag) =	ssettag $0x1  }
0x1: {  	s4 =	rddreg [dreg:$0x0]  }
0x2: {  	s0 =	rddreg [dreg:$0x1];
	s2 =	simm.s32 $0x0;
	s3 =	srdreg.scid  }
0x3: {  	s1 =	stileid.u32;
	s13 =	simm.s32 $0x1;
	s14 =	simm.s32 $0x2  }
0x4: {  	s15 =	simm.s32 $0x3;
	s16 =	simm.s32 $0xA580;
	s17 =	simm.s32 $0xCD80  }
0x5: {  	s18 =	simm.s32 $0x80;
	s19 =	simm.s32 $0x400;
	s20 =	simm.s32 $0x4  }
0x6: {  	[smem:$0x7FF] =	sst s2;
	s5 =	sand.u32 $0x1, s3;
	s25 =	sshrl.u32 s1, $0x2  }
0x7: {  	s6 =	sshll.u32 s1, $0x8;
	s8 =	sadd.s32 $0x2200, s4;
	s10 =	smul.u32 $0x5000, s1  }
0x8: {  	s9 =	sadd.s32 $0xC200, s4;
	s3 =	sadd.s32 $0x1C00, s4;
	s30 =	smul.u32 $0xA00, s1  }
0x9: {  	s7 =	smul.u32 $0x14000, s25;
	s26 =	sshll.u32 s5, $0x7;
	s6 =	sand.u32 $0x300, s6  }
0xa: {  	_ =	strace $0x80000047;
	s28 =	ssub.s32 $0x2, s5;
	p0 =	seq.s32 s5, $0x1  }
0xb: {  	s6 =	sor.u32 s26, s6;
	s29 =	sshrl.u32 s28, $0x1;
	s31 =	sshrl.u32 s10, $0x3  }
.Ltmp0:
0xc: {  	s5 =	sadd.s32 s9, s30;
	s6 =	sor.u32 s7, s6;
	(pc) =	sbr.rel .LBB2_1-.Ltmp0, $4  }
0xd: {  	s12 =	ssub.s32 s28, s29;
	s7 =	sadd.s32 $0x7E0, s31;
	s6 =	sshrl.u32 s6, $0x3  }
0xe: {  	s10 =	smax.u32 s12, $0x1;
	s12 =	simm.s32 $0x7E00;
	s11 =	sadd.s32 s6, s4  }
0xf: {  	s4 =	sadd.s32 s8, s30;
	s6 =	sadd.s32 s8, s7;
	s7 =	sadd.s32 s9, s7  }
0x10: {  	v0 =	vimm.f32 $0.0e+00;
	v1 =	vimm.f32 $1.000000000e+00;
	s8 =	sadd.s32 $0x16200, s11;
	s9 =	sadd.s32 $0x20200, s11;
	s11 =	simm.s32 $0x3F00  }
.LBB2_11:
0x11: {  	_ =	sdelay $0x1  }
0x12: {  	v7 =	vadd.f32 v7, v10  }
0x13: {  	v5 =	vadd.f32 v5, v9  }
0x14: {  	v63 =	vadd.f32 v6, v8;
	[tilespmem:v4+s16+$0x0] =	vst.idx.add.f32.msk $0xffff, v7  }
0x15: {  	[tilespmem:v3+s16+$0x0] =	vst.idx.add.f32.msk $0xffff, v5  }
0x16: {  	[tilespmem:v2+s16+$0x0] =	vst.idx.add.f32.msk $0xffff, v63  }
0x17: {  	[tilespmem:v4+s17+$0x0] =	vst.idx.add.f32.msk $0xffff, v1  }
0x18: {  	[tilespmem:v3+s17+$0x0] =	vst.idx.add.f32.msk $0xffff, v1  }
0x19: {  	[tilespmem:v2+s17+$0x0] =	vst.idx.add.f32.msk $0xffff, v1  }
.LBB2_12:
0x1a: {  	[hbm4b:s8+s18] =	stream.strided.scatter [tilespmem:s16], [sflag:$0x4], $0x2800, s19, s18, $0x38;
	[tilespmem:$0xF580] =	vst v63  }
0x1b: {  	s2 =	sadd.s32 $0x1, s2;
	_ =	swait.ge [sflag:s20], $0x2800  }
0x1c: {  	p1 =	sne.s32 s2, s10;
	[sflag:s20] =	ssyncset.done $0x0  }
.Ltmp1:
0x1d: {  	[sflag:s20] =	ssyncadd.s32 $0xFFFFD800;
	(pc) =	sbr.rel @!p1 .LBB2_13-.Ltmp1, $4  }
0x1e: {  	[hbm4b:s9+s18] =	stream.strided.scatter [tilespmem:s17], [sflag:$0x4], $0x2800, s19, s18, $0x38;
	[tilespmem:$0xF580] =	vst v63  }
0x1f: {  	_ =	swait.ge [sflag:s20], $0x2800  }
0x20: {  	[sflag:s20] =	ssyncset.done $0x0  }
0x21: {  	[sflag:s20] =	ssyncadd.s32 $0xFFFFD800  }
.LBB2_1:
.Ltmp2:
0x22: {  	(pc) =	sbr.rel @!p0 .LBB2_2-.Ltmp2, $2  }
0x23: {  	_ =	sdelay $0x2  }
0x24: {  	s21 =	simm.s32 $0x0  }
0x25: {  	[tilespmem:s21], [sflag:$0x1] =	stream.linear.gather [hbm4b:s6+s21], $0x1100, $0x38;
	[tilespmem:$0xF580] =	vst v63  }
0x26: {  	_ = 	snop  }
0x27: {  	[tilespmem:s11], [sflag:$0x2] =	stream.linear.gather [hbm4b:s7+s21], $0x1100, $0x38;
	[tilespmem:$0xF580] =	vst v63  }
0x28: {  	_ = 	snop  }
0x29: {  	[tilespmem:s12], [sflag:$0x3] =	stream.linear.gather [hbm4b:s3+s21], $0x2780, $0x38;
	[tilespmem:$0xF580] =	vst v63  }
0x2a: {  	s22 =	simm.s32 $0x100;
	s21 =	simm.s32 $0x0  }
.LBB2_8:
0x2b: {  	p1 =	sne.s32 s22, $0x9F00;
	[tilespmem:s21+$0xCDB0] =	vst v0  }
0x2c: {  	[tilespmem:s21+$0xA580] =	vst v0  }
0x2d: {  	[tilespmem:s21+$0xCD80] =	vst v0  }
.Ltmp3:
0x2e: {  	[tilespmem:s21+$0xA590] =	vst v0;
	(pc) =	sbr.rel @p1 .LBB2_8-.Ltmp3, $4  }
0x2f: {  	[tilespmem:s21+$0xCD90] =	vst v0  }
0x30: {  	[tilespmem:s21+$0xA5A0] =	vst v0  }
0x31: {  	[tilespmem:s21+$0xCDA0] =	vst v0  }
0x32: {  	[tilespmem:s21+$0xA5B0] =	vst v0;
	s21 =	sshra.s32 s22, $0x2;
	s22 =	sadd.s32 $0x100, s22  }
0x33: {  	[tilespmem:s21+$0xCDB0] =	vst v0  }
0x34: {  	[tilespmem:s21+$0xA580] =	vst v0  }
0x35: {  	[tilespmem:s21+$0xCD80] =	vst v0  }
0x36: {  	[tilespmem:s21+$0xA590] =	vst v0  }
0x37: {  	[tilespmem:s21+$0xCD90] =	vst v0  }
0x38: {  	[tilespmem:s21+$0xA5A0] =	vst v0  }
0x39: {  	[tilespmem:s21+$0xCDA0] =	vst v0  }
0x3a: {  	[tilespmem:s21+$0xA5B0] =	vst v0  }
0x3b: {  	_ =	swait.ge [sflag:s13], $0x1100  }
0x3c: {  	[sflag:s13] =	ssyncset.done $0x0  }
0x3d: {  	[sflag:s13] =	ssyncadd.s32 $0xFFFFEF00  }
0x3e: {  	_ =	swait.ge [sflag:s14], $0x1100  }
0x3f: {  	[sflag:s14] =	ssyncset.done $0x0  }
0x40: {  	[sflag:s14] =	ssyncadd.s32 $0xFFFFEF00  }
0x41: {  	_ =	swait.ge [sflag:s15], $0x2780  }
0x42: {  	[sflag:s15] =	ssyncset.done $0x0  }
0x43: {  	s31 =	simm.s32 $0x20;
	[sflag:s15] =	ssyncadd.s32 $0xFFFFD880  }
0x44: {  	v2 =	vld [tilespmem:s31+$0x10];
	_ =	sdelay $0x2  }
0x45: {  	v3 =	vld [tilespmem:s31+$0xFFFFFFF0]  }
0x46: {  	v4 =	vld [tilespmem:s31+$0xFFFFFFE0]  }
0x47: {  	v11 =	vld [tilespmem:s31+$0x0];
	v5 =	vand.u32 $0x3FFF, v2;
	_ =	sdelay $0x2  }
0x48: {  	s21 =	simm.s32 $0x3F20;
	v6 =	vand.u32 $0x3FFF, v3  }
0x49: {  	v13 =	vld [tilespmem:s21+$0x10];
	v7 =	vand.u32 $0x3FFF, v4  }
0x4a: {  	v8 =	vand.u32 $0x3FFF, v11;
	v12 =	vld.idx.msk [tilespmem:v5+s12+$0x0], $0xffff  }
0x4b: {  	v10 =	vld [tilespmem:s21+$0xFFFFFFE0]  }
0x4c: {  	v9 =	vld [tilespmem:s21+$0xFFFFFFF0];
	v14 =	vshrl.u32 v2, $0xE  }
0x4d: {  	v5 =	vld.idx.msk [tilespmem:v6+s12+$0x0], $0xffff  }
0x4e: {  	v7 =	vld.idx.msk [tilespmem:v7+s12+$0x0], $0xffff  }
0x4f: {  	v6 =	vld.idx.msk [tilespmem:v8+s12+$0x0], $0xffff;
	v2 =	vadd.f32 v12, v13  }
0x50: {  	v8 =	vld [tilespmem:s21+$0x0]  }
0x51: {  	[tilespmem:v14+s16+$0x0] =	vst.idx.add.f32.msk $0xffff, v2  }
0x52: {  	s22 =	simm.s32 $0x0;
	s23 =	simm.s32 $0x60;
	v3 =	vshrl.u32 v3, $0xE;
	v4 =	vshrl.u32 v4, $0xE;
	v2 =	vshrl.u32 v11, $0xE;
	[tilespmem:v14+s17+$0x0] =	vst.idx.add.f32.msk $0xffff, v1  }
.LBB2_10:
0x53: {  	v11 =	vld [tilespmem:s23+$0x10];
	v7 =	vadd.f32 v7, v10  }
0x54: {  	s22 =	sadd.s32 $0x4, s22;
	v5 =	vadd.f32 v5, v9;
	v10 =	vld [tilespmem:s23+$0xFFFFFFF0]  }
0x55: {  	v6 =	vadd.f32 v6, v8;
	p1 =	slt.u32 s22, $0x10C;
	v9 =	vld [tilespmem:s23+$0x0]  }
0x56: {  	v8 =	vld [tilespmem:s23+$0xFFFFFFE0]  }
0x57: {  	[tilespmem:v4+s16+$0x0] =	vst.idx.add.f32.msk $0xffff, v7  }
0x58: {  	v7 =	vand.u32 $0x3FFF, v11;
	[tilespmem:v4+s17+$0x0] =	vst.idx.add.f32.msk $0xffff, v1  }
0x59: {  	v4 =	vshrl.u32 v10, $0xE;
	v10 =	vand.u32 $0x3FFF, v10;
	[tilespmem:v3+s16+$0x0] =	vst.idx.add.f32.msk $0xffff, v5  }
0x5a: {  	v5 =	vshrl.u32 v9, $0xE;
	v9 =	vand.u32 $0x3FFF, v9;
	[tilespmem:v3+s17+$0x0] =	vst.idx.add.f32.msk $0xffff, v1;
	v3 =	vmov v4  }
0x5b: {  	v4 =	vshrl.u32 v8, $0xE;
	v8 =	vand.u32 $0x3FFF, v8;
	[tilespmem:v2+s16+$0x0] =	vst.idx.add.f32.msk $0xffff, v6  }
0x5c: {  	[tilespmem:v2+s17+$0x0] =	vst.idx.add.f32.msk $0xffff, v1;
	v2 =	vmov v5  }
0x5d: {  	s21 =	sadd.s32 $0x40, s21;
	v12 =	vld.idx.msk [tilespmem:v7+s12+$0x0], $0xffff  }
0x5e: {  	v13 =	vld [tilespmem:s21+$0x10]  }
0x5f: {  	v5 =	vld.idx.msk [tilespmem:v10+s12+$0x0], $0xffff  }
0x60: {  	v11 =	vshrl.u32 v11, $0xE;
	v7 =	vld.idx.msk [tilespmem:v8+s12+$0x0], $0xffff  }
0x61: {  	v6 =	vld.idx.msk [tilespmem:v9+s12+$0x0], $0xffff  }
.Ltmp4:
0x62: {  	v10 =	vld [tilespmem:s21+$0xFFFFFFE0];
	(pc) =	sbr.rel @p1 .LBB2_10-.Ltmp4, $4  }
0x63: {  	v9 =	vld [tilespmem:s21+$0xFFFFFFF0];
	v12 =	vadd.f32 v12, v13  }
0x64: {  	v8 =	vld [tilespmem:s21+$0x0]  }
0x65: {  	[tilespmem:v11+s16+$0x0] =	vst.idx.add.f32.msk $0xffff, v12  }
0x66: {  	s23 =	sadd.s32 $0x40, s23;
	[tilespmem:v11+s17+$0x0] =	vst.idx.add.f32.msk $0xffff, v1  }
.Ltmp5:
0x67: {  	_ = 	snop;
	(pc) =	sbr.rel .LBB2_11-.Ltmp5, $1  }
0x68: {  	_ =	sdelay $0x3  }
.LBB2_2:
0x69: {  	[tilespmem:s21], [sflag:$0x1] =	stream.linear.gather [hbm4b:s4+s21], $0x3F00, $0x38;
	[tilespmem:$0xF580] =	vst v63  }
0x6a: {  	_ = 	snop  }
0x6b: {  	[tilespmem:s11], [sflag:$0x2] =	stream.linear.gather [hbm4b:s5+s21], $0x3F00, $0x38;
	[tilespmem:$0xF580] =	vst v63  }
0x6c: {  	_ = 	snop  }
0x6d: {  	[tilespmem:s12], [sflag:$0x3] =	stream.linear.gather [hbm4b:s3+s21], $0x2780, $0x38;
	[tilespmem:$0xF580] =	vst v63  }
0x6e: {  	s22 =	simm.s32 $0x100;
	s21 =	simm.s32 $0x0  }
.LBB2_3:
0x6f: {  	p1 =	sne.s32 s22, $0x9F00;
	[tilespmem:s21+$0xCDB0] =	vst v0  }
0x70: {  	[tilespmem:s21+$0xA580] =	vst v0  }
0x71: {  	[tilespmem:s21+$0xCD80] =	vst v0  }
.Ltmp6:
0x72: {  	[tilespmem:s21+$0xA590] =	vst v0;
	(pc) =	sbr.rel @p1 .LBB2_3-.Ltmp6, $4  }
0x73: {  	[tilespmem:s21+$0xCD90] =	vst v0  }
0x74: {  	[tilespmem:s21+$0xA5A0] =	vst v0  }
0x75: {  	[tilespmem:s21+$0xCDA0] =	vst v0  }
0x76: {  	[tilespmem:s21+$0xA5B0] =	vst v0;
	s21 =	sshra.s32 s22, $0x2;
	s22 =	sadd.s32 $0x100, s22  }
0x77: {  	[tilespmem:s21+$0xCDB0] =	vst v0  }
0x78: {  	[tilespmem:s21+$0xA580] =	vst v0  }
0x79: {  	[tilespmem:s21+$0xCD80] =	vst v0  }
0x7a: {  	[tilespmem:s21+$0xA590] =	vst v0  }
0x7b: {  	[tilespmem:s21+$0xCD90] =	vst v0  }
0x7c: {  	[tilespmem:s21+$0xA5A0] =	vst v0  }
0x7d: {  	[tilespmem:s21+$0xCDA0] =	vst v0  }
0x7e: {  	[tilespmem:s21+$0xA5B0] =	vst v0  }
0x7f: {  	_ =	swait.ge [sflag:s13], $0x3F00  }
0x80: {  	[sflag:s13] =	ssyncset.done $0x0  }
0x81: {  	[sflag:s13] =	ssyncadd.s32 $0xFFFFC100  }
0x82: {  	_ =	swait.ge [sflag:s14], $0x3F00  }
0x83: {  	[sflag:s14] =	ssyncset.done $0x0  }
0x84: {  	[sflag:s14] =	ssyncadd.s32 $0xFFFFC100  }
0x85: {  	_ =	swait.ge [sflag:s15], $0x2780  }
0x86: {  	[sflag:s15] =	ssyncset.done $0x0  }
0x87: {  	s31 =	simm.s32 $0x20;
	[sflag:s15] =	ssyncadd.s32 $0xFFFFD880  }
0x88: {  	v2 =	vld [tilespmem:s31+$0x10];
	_ =	sdelay $0x2  }
0x89: {  	v3 =	vld [tilespmem:s31+$0xFFFFFFF0]  }
0x8a: {  	v4 =	vld [tilespmem:s31+$0xFFFFFFE0]  }
0x8b: {  	v11 =	vld [tilespmem:s31+$0x0];
	v5 =	vand.u32 $0x3FFF, v2;
	_ =	sdelay $0x2  }
0x8c: {  	s21 =	simm.s32 $0x3F20;
	v6 =	vand.u32 $0x3FFF, v3  }
0x8d: {  	v13 =	vld [tilespmem:s21+$0x10];
	v7 =	vand.u32 $0x3FFF, v4  }
0x8e: {  	v8 =	vand.u32 $0x3FFF, v11;
	v12 =	vld.idx.msk [tilespmem:v5+s12+$0x0], $0xffff  }
0x8f: {  	v10 =	vld [tilespmem:s21+$0xFFFFFFE0]  }
0x90: {  	v9 =	vld [tilespmem:s21+$0xFFFFFFF0];
	v14 =	vshrl.u32 v2, $0xE  }
0x91: {  	v5 =	vld.idx.msk [tilespmem:v6+s12+$0x0], $0xffff  }
0x92: {  	v7 =	vld.idx.msk [tilespmem:v7+s12+$0x0], $0xffff  }
0x93: {  	v6 =	vld.idx.msk [tilespmem:v8+s12+$0x0], $0xffff;
	v2 =	vadd.f32 v12, v13  }
0x94: {  	v8 =	vld [tilespmem:s21+$0x0]  }
0x95: {  	[tilespmem:v14+s16+$0x0] =	vst.idx.add.f32.msk $0xffff, v2  }
0x96: {  	s22 =	simm.s32 $0x0;
	s23 =	simm.s32 $0x60;
	v3 =	vshrl.u32 v3, $0xE;
	v4 =	vshrl.u32 v4, $0xE;
	v2 =	vshrl.u32 v11, $0xE;
	[tilespmem:v14+s17+$0x0] =	vst.idx.add.f32.msk $0xffff, v1  }
.LBB2_5:
0x97: {  	v11 =	vld [tilespmem:s23+$0x10];
	v7 =	vadd.f32 v7, v10  }
0x98: {  	s22 =	sadd.s32 $0x4, s22;
	v10 =	vld [tilespmem:s23+$0xFFFFFFF0];
	v5 =	vadd.f32 v5, v9  }
0x99: {  	p1 =	slt.u32 s22, $0x3EC;
	v9 =	vld [tilespmem:s23+$0x0];
	v6 =	vadd.f32 v6, v8  }
0x9a: {  	v8 =	vld [tilespmem:s23+$0xFFFFFFE0]  }
0x9b: {  	[tilespmem:v4+s16+$0x0] =	vst.idx.add.f32.msk $0xffff, v7  }
0x9c: {  	v7 =	vand.u32 $0x3FFF, v11;
	[tilespmem:v4+s17+$0x0] =	vst.idx.add.f32.msk $0xffff, v1  }
0x9d: {  	v4 =	vshrl.u32 v10, $0xE;
	v10 =	vand.u32 $0x3FFF, v10;
	[tilespmem:v3+s16+$0x0] =	vst.idx.add.f32.msk $0xffff, v5  }
0x9e: {  	v5 =	vshrl.u32 v9, $0xE;
	v9 =	vand.u32 $0x3FFF, v9;
	[tilespmem:v3+s17+$0x0] =	vst.idx.add.f32.msk $0xffff, v1;
	v3 =	vmov v4  }
0x9f: {  	v4 =	vshrl.u32 v8, $0xE;
	v8 =	vand.u32 $0x3FFF, v8;
	[tilespmem:v2+s16+$0x0] =	vst.idx.add.f32.msk $0xffff, v6  }
0xa0: {  	[tilespmem:v2+s17+$0x0] =	vst.idx.add.f32.msk $0xffff, v1;
	v2 =	vmov v5  }
0xa1: {  	s21 =	sadd.s32 $0x40, s21;
	v12 =	vld.idx.msk [tilespmem:v7+s12+$0x0], $0xffff  }
0xa2: {  	v13 =	vld [tilespmem:s21+$0x10]  }
0xa3: {  	v5 =	vld.idx.msk [tilespmem:v10+s12+$0x0], $0xffff  }
0xa4: {  	v11 =	vshrl.u32 v11, $0xE;
	v7 =	vld.idx.msk [tilespmem:v8+s12+$0x0], $0xffff  }
0xa5: {  	v6 =	vld.idx.msk [tilespmem:v9+s12+$0x0], $0xffff  }
.Ltmp7:
0xa6: {  	v10 =	vld [tilespmem:s21+$0xFFFFFFE0];
	(pc) =	sbr.rel @p1 .LBB2_5-.Ltmp7, $4  }
0xa7: {  	v9 =	vld [tilespmem:s21+$0xFFFFFFF0];
	v12 =	vadd.f32 v12, v13  }
0xa8: {  	v8 =	vld [tilespmem:s21+$0x0]  }
0xa9: {  	[tilespmem:v11+s16+$0x0] =	vst.idx.add.f32.msk $0xffff, v12  }
0xaa: {  	s23 =	sadd.s32 $0x40, s23;
	[tilespmem:v11+s17+$0x0] =	vst.idx.add.f32.msk $0xffff, v1  }
0xab: {  	_ =	sdelay $0x1  }
0xac: {  	v7 =	vadd.f32 v7, v10;
	_ =	sdelay $0x1  }
0xad: {  	v5 =	vadd.f32 v5, v9;
	[tilespmem:v4+s16+$0x0] =	vst.idx.add.f32.msk $0xffff, v7  }
.Ltmp8:
0xae: {  	[tilespmem:v4+s17+$0x0] =	vst.idx.add.f32.msk $0xffff, v1;
	(pc) =	sbr.rel .LBB2_12-.Ltmp8, $4  }
0xaf: {  	v63 =	vadd.f32 v6, v8;
	[tilespmem:v3+s16+$0x0] =	vst.idx.add.f32.msk $0xffff, v5  }
0xb0: {  	[tilespmem:v3+s17+$0x0] =	vst.idx.add.f32.msk $0xffff, v1  }
0xb1: {  	[tilespmem:v2+s16+$0x0] =	vst.idx.add.f32.msk $0xffff, v63  }
0xb2: {  	[tilespmem:v2+s17+$0x0] =	vst.idx.add.f32.msk $0xffff, v1  }
.LBB2_13:
0xb3: {  	_ =	sfence.sel $0x180000  }
0xb4: {  	[bflag:$0x0] =	sbarrier.arrive $0xFFFF  }
0xb5: {  	p0 =	sne.s32 s1, $0x0;
	_ =	strace $0x90000047  }
0xb6: {  	s0 =	sadd.s32 @!p0 $0x100000, s0;
	[bflag:$0x2] =	sbarrier.arrive $0xFFFF  }
0xb7: {  	[sflag:s0] =	ssyncadd.tile.s32 @!p0 $0x1;
	_ =	shalt  }
.Lfunc_end2:
_tile_overlayer_lowered:
.L_overlay_start_2:
0xb8: {  	(tag) =	ssettag $0x2  }
0xb9: {  	s0 =	rddreg [dreg:$0x0];
	s2 =	stileid.u32  }
0xba: {  	s1 =	rddreg [dreg:$0x1];
	p0 =	sne.s32 s2, $0x0  }
0xbb: {  	s3 =	rddreg [dreg:$0x2];
	[bflag:$0x3] =	sbarrier.arrive $0xFFFF;
	s2 =	simm.s32 @!p0 $0x1C04  }
0xbc: {  	[timem:s3], [sflag:s2] =	dma.local @!p0 [hbm:s0], s1  }
0xbd: {  	s0 =	simm.s32 @!p0 $0x4  }
0xbe: {  	_ =	swait.ge @!p0 [sflag:s0], s1  }
0xbf: {  	s1 =	ssub.s32 @!p0 $0x0, s1;
	[sflag:s0] =	ssyncset.done @!p0 $0x0  }
0xc0: {  	[sflag:s0] =	ssyncadd.s32 @!p0 s1  }
0xc1: {  	[bflag:$0x3] =	sbarrier.arrive $0xFFFF  }
0xc2: {  	_ =	shalt  }

</sc_bundles>
